<compile_context>
chip_gen: v7x
topology: tpu7x:2x2x1
jax: 0.10.2.dev20260603
libtpu: 0.0.44.dev20260713+nightly
codegen_flags: <defaults>
</compile_context>

<pallas_src>
import functools

import jax
import jax.numpy as jnp
from jax import lax
from jax.experimental import pallas as pl
from jax.experimental.pallas import tpu as pltpu
from jax.experimental.pallas import tpu_sc as plsc

N_NODES = 10000
N_EDGES = 320000
D_FEAT = 128
HIDDEN = 128
NUM_CLASSES = 64
NUM_EDGE_FEATURES = 4
NUM_BINS = 16
NUM_COLS = NUM_EDGE_FEATURES * NUM_BINS

L = 16
NC = 2
NS = 16
NW = NC * NS
CH = 16000
NCH = N_EDGES // CH
IT_PER_CH = CH // L
UNROLL = 10
NPR = 640


def _sc_counts(s, f_flat):
    mesh = plsc.VectorSubcoreMesh(
        core_axis_name="c", subcore_axis_name="s", num_cores=NC,
        num_subcores=NS)

    @functools.partial(
        pl.kernel,
        mesh=mesh,
        compiler_params=pltpu.CompilerParams(needs_layout_passes=False),
        out_type=jax.ShapeDtypeStruct((NW * 2 * N_NODES,), jnp.float32),
        scratch_types=[
            pltpu.VMEM((N_NODES,), jnp.int32),
            pltpu.VMEM((2 * N_NODES,), jnp.float32),
            pltpu.VMEM((2 * N_NODES,), jnp.float32),
            pltpu.VMEM((CH,), jnp.int32),
            pltpu.VMEM((CH,), jnp.int32),
            pltpu.VMEM((CH,), jnp.int32),
            pltpu.VMEM((CH,), jnp.int32),
            pltpu.VMEM((NPR * L,), jnp.int32),
            pltpu.SemaphoreType.DMA,
            pltpu.SemaphoreType.DMA,
        ],
    )
    def body(s_hbm, f_hbm, out_hbm, s0_v, hist_v, hist2_v, sbuf0, sbuf1,
             fbuf0, fbuf1, pres_v, sem0, sem1):
        cid = lax.axis_index("c")
        sid = lax.axis_index("s")
        wid = sid * NC + cid
        i_grp = wid // (NW // NUM_EDGE_FEATURES)
        b_lo = (2 * wid) % NUM_BINS
        b_hi = b_lo + 1
        f_base = i_grp * N_EDGES

        sbuf = (sbuf0, sbuf1)
        fbuf = (fbuf0, fbuf1)
        sem = (sem0, sem1)

        def issue(ci, b):
            off = ci * CH
            pltpu.async_copy(s_hbm.at[pl.ds(off, CH)], sbuf[b], sem[b])
            pltpu.async_copy(f_hbm.at[pl.ds(f_base + off, CH)], fbuf[b],
                             sem[b])

        def wait(b):
            pltpu.make_async_copy(s_hbm.at[pl.ds(0, CH)], sbuf[b],
                                  sem[b]).wait()
            pltpu.make_async_copy(f_hbm.at[pl.ds(0, CH)], fbuf[b],
                                  sem[b]).wait()

        def process(b):
            def it(j, _):
                base0 = j * (UNROLL * L)
                svs = [sbuf[b][pl.ds(base0 + u * L, L)]
                       for u in range(UNROLL)]
                fvs = [fbuf[b][pl.ds(base0 + u * L, L)]
                       for u in range(UNROLL)]
                ts = [plsc.load_gather(s0_v, [sv]) for sv in svs]
                m_his = [fv == b_hi for fv in fvs]
                ms = [(fv == b_lo) | mh for fv, mh in zip(fvs, m_his)]
                idxs = [t + jnp.where(mh, N_NODES, 0)
                        for t, mh in zip(ts, m_his)]
                scans = [plsc.scan_count(ix, m) for ix, m in zip(idxs, ms)]
                for sv in svs:
                    plsc.store_scatter(pres_v, [sv], ione)
                for ix, (cnt, last) in zip(idxs, scans):
                    plsc.addupdate_scatter(
                        hist_v, [ix], cnt.astype(jnp.float32), mask=last)
                return 0

            lax.fori_loop(0, IT_PER_CH // UNROLL, it, 0)

        zeros = jnp.zeros((L,), jnp.float32)
        izero = jnp.zeros((L,), jnp.int32)
        ione = jnp.ones((L,), jnp.int32)

        issue(0, 0)
        issue(1, 1)

        def zero_body(j, _):
            hist_v[pl.ds(j * L, L)] = zeros
            hist2_v[pl.ds(j * L, L)] = zeros
            return 0

        lax.fori_loop(0, 2 * N_NODES // L, zero_body, 0)

        def zero_pres(j, _):
            pres_v[pl.ds(j * L, L)] = izero
            return 0

        lax.fori_loop(0, NPR, zero_pres, 0)

        pltpu.sync_copy(s_hbm.at[pl.ds(0, N_NODES)], s0_v)

        def outer(k, _):
            c0 = 2 * k
            wait(0)
            process(0)

            @pl.when(c0 + 2 < NCH)
            def _():
                issue(c0 + 2, 0)

            wait(1)
            process(1)

            @pl.when(c0 + 3 < NCH)
            def _():
                issue(c0 + 3, 1)

            return 0

        lax.fori_loop(0, NCH // 2, outer, 0)

        def rank_body(j, carry):
            p = pres_v[pl.ds(j * L, L)]
            cs = plsc.cumsum(p)
            r = cs - p + carry
            pm = p == 1
            h0 = hist_v[pl.ds(j * L, L)]
            h1 = hist_v[pl.ds(N_NODES + j * L, L)]
            plsc.store_scatter(hist2_v, [r], h0, mask=pm)
            plsc.store_scatter(hist2_v, [r + N_NODES], h1, mask=pm)
            return carry + lax.reduce_sum(p, axes=(0,))

        lax.fori_loop(0, N_NODES // L, rank_body, jnp.int32(0))

        pltpu.sync_copy(hist2_v, out_hbm.at[pl.ds(wid * 2 * N_NODES,
                                                  2 * N_NODES)])

    return body(s, f_flat)


def _tc_dense(x, W1, b1, aggT, W2a, W2b, b2):
    def body(x_ref, w1_ref, b1_ref, aggt_ref, w2a_ref, w2b_ref, b2_ref,
             o_ref):
        h = jnp.maximum(
            jnp.dot(x_ref[...], w1_ref[...],
                    preferred_element_type=jnp.float32) + b1_ref[...], 0.0)
        agg_term = lax.dot_general(
            aggt_ref[...], w2b_ref[...],
            dimension_numbers=(((0,), (0,)), ((), ())),
            preferred_element_type=jnp.float32)
        o_ref[...] = (
            jnp.dot(h, w2a_ref[...], preferred_element_type=jnp.float32)
            + agg_term + b2_ref[...])

    return pl.pallas_call(
        body,
        out_shape=jax.ShapeDtypeStruct((N_NODES, NUM_CLASSES), jnp.float32),
    )(x, W1, b1, aggT, W2a, W2b, b2)


def kernel(x, edge_index, edge_features, W1, b1, W2, b2):
    s = edge_index[:, 0]
    f_flat = edge_features.T.reshape(-1)
    counts = _sc_counts(s, f_flat)
    aggT = counts.reshape(NUM_COLS, N_NODES)
    return _tc_dense(x, W1, b1.reshape(1, HIDDEN), aggT,
                     W2[:HIDDEN], W2[HIDDEN:], b2.reshape(1, NUM_CLASSES))

# --- scband reference (transcript-rebuilt; emitter-appended) ---
"""Pipeline reference for scband-gnnmodel-41274635715016 (READ-ONLY COPY).

The authoritative reference and input builder live on the scoring server;
editing this copy changes nothing except your own understanding.
"""

import jax, jax.numpy as jnp
import numpy as np

N_NODES = 10000
N_EDGES = 320000
D_FEAT = 128
HIDDEN = 128
NUM_CLASSES = 64
NUM_EDGE_FEATURES = 4
NUM_BINS = 16


def setup_inputs(seed: int = 0) -> dict:
    key = jax.random.key(seed)
    k1, k2, k3, k4, k5, k6, k7 = jax.random.split(key, 7)
    x = jax.random.normal(k1, (N_NODES, D_FEAT), dtype=jnp.float32)
    edge_index = jax.random.randint(k2, (N_EDGES, 2), 0, N_NODES, dtype=jnp.int32)
    edge_features = jax.random.randint(k3, (N_EDGES, NUM_EDGE_FEATURES), 0, NUM_BINS, dtype=jnp.int32)
    # Dense layer params (conv1: D_FEAT->HIDDEN, conv2: HIDDEN+NUM_EDGE_FEATURES*NUM_BINS -> NUM_CLASSES)
    concat_dim = HIDDEN + NUM_EDGE_FEATURES * NUM_BINS
    W1 = jax.random.normal(k4, (D_FEAT, HIDDEN), dtype=jnp.float32) * (1.0 / np.sqrt(D_FEAT))
    b1 = jnp.zeros((HIDDEN,), dtype=jnp.float32)
    W2 = jax.random.normal(k5, (concat_dim, NUM_CLASSES), dtype=jnp.float32) * (1.0 / np.sqrt(concat_dim))
    b2 = jnp.zeros((NUM_CLASSES,), dtype=jnp.float32)
    return {"x": x, "edge_index": edge_index, "edge_features": edge_features,
            "W1": W1, "b1": b1, "W2": W2, "b2": b2}


def reference(x, edge_index, edge_features, W1, b1, W2, b2):
    # conv1 (Dense + relu)
    h = jax.nn.relu(jnp.dot(x, W1) + b1)
    # one-hot encode each edge feature column and concat
    edge_feature_list = []
    for i in range(NUM_EDGE_FEATURES):
        oh = jax.nn.one_hot(edge_features[:, i], NUM_BINS, dtype=jnp.float32)
        edge_feature_list.append(oh)
    encoded_edge_features = jnp.concatenate(edge_feature_list, axis=1)
    # segment ids and tf.unique-style remap
    segment_ids = edge_index[:, 0]
    unique_vals, segment_indices = jnp.unique(segment_ids, return_inverse=True,
                                              size=x.shape[0], fill_value=0)
    segment_indices = segment_indices.reshape(-1)
    segment_ids_mapped = jnp.take(segment_indices, segment_ids, axis=0)
    agg = jax.ops.segment_sum(encoded_edge_features, segment_ids_mapped, num_segments=x.shape[0])
    out = jnp.concatenate([h, agg], axis=1)
    out = jax.nn.relu(out)
    out = jnp.dot(out, W2) + b2
    return out

if __name__ == "__main__":
    import jax
    _d = setup_inputs()
    print(jax.jit(kernel)(*tuple(_d.values())))

</pallas_src>

<mosaic_0001>
#map = affine_map<(d0, d1) -> (0)>
module attributes {stable_mosaic.version = 14 : i64} {
  func.func @body(%arg0: i32, %arg1: i32, %arg2: memref<320000xi32, #tpu.memory_space<hbm>>, %arg3: memref<1280000xi32, #tpu.memory_space<hbm>>, %arg4: memref<640000xf32, #tpu.memory_space<hbm>>, %arg5: memref<10000xi32, #tpu.memory_space<vmem>>, %arg6: memref<20000xf32, #tpu.memory_space<vmem>>, %arg7: memref<20000xf32, #tpu.memory_space<vmem>>, %arg8: memref<16000xi32, #tpu.memory_space<vmem>>, %arg9: memref<16000xi32, #tpu.memory_space<vmem>>, %arg10: memref<16000xi32, #tpu.memory_space<vmem>>, %arg11: memref<16000xi32, #tpu.memory_space<vmem>>, %arg12: memref<10240xi32, #tpu.memory_space<vmem>>, %arg13: memref<!tpu.dma_semaphore, #tpu.memory_space<semaphore_mem>>, %arg14: memref<!tpu.dma_semaphore, #tpu.memory_space<semaphore_mem>>) attributes {dimension_semantics = [#tpu.dimension_semantics<core_parallel>, #tpu.dimension_semantics<subcore_parallel>], iteration_bounds = array<i64: 2, 16>, scalar_prefetch = 0 : i64, scratch_operands = 10 : i64, tpu.core_type = #tpu.core_type<sc_vector_subcore>, window_params = [{transform_indices = #map}, {transform_indices = #map}, {transform_indices = #map}]} {
    %mul3A = arith.constant 2 : i32
    %mul3A_0 = arith.muli %arg1, %mul3A : i32
    %add3A = arith.addi %mul3A_0, %arg0 : i32
    %jit3A = arith.constant 8 : i32
    %div3A = arith.divsi %add3A, %jit3A : i32
    %sign3A = arith.constant 0 : i32
    %sign3A_1 = arith.cmpi sgt, %add3A, %sign3A : i32
    %sign3A_2 = arith.extui %sign3A_1 : i1 to i32
    %sign3A_3 = arith.constant 0 : i32
    %sign3A_4 = arith.cmpi slt, %add3A, %sign3A_3 : i32
    %sign3A_5 = arith.extui %sign3A_4 : i1 to i32
    %sign3A_6 = arith.subi %sign3A_2, %sign3A_5 : i32
    %sign3A_7 = arith.constant 0 : i32
    %sign3A_8 = arith.cmpi sgt, %jit3A, %sign3A_7 : i32
    %sign3A_9 = arith.extui %sign3A_8 : i1 to i32
    %sign3A_10 = arith.constant 0 : i32
    %sign3A_11 = arith.cmpi slt, %jit3A, %sign3A_10 : i32
    %sign3A_12 = arith.extui %sign3A_11 : i1 to i32
    %sign3A_13 = arith.subi %sign3A_9, %sign3A_12 : i32
    %ne3A = arith.cmpi ne, %sign3A_6, %sign3A_13 : i32
    %rem3A = arith.remsi %add3A, %jit3A : i32
    %ne3A_14 = arith.constant 0 : i32
    %ne3A_15 = arith.cmpi ne, %rem3A, %ne3A_14 : i32
    %and3A = arith.andi %ne3A, %ne3A_15 : i1
    %sub3A = arith.constant 1 : i32
    %sub3A_16 = arith.subi %div3A, %sub3A : i32
    %select_n3A = arith.select %and3A, %sub3A_16, %div3A : i32
    %mul3A_17 = arith.constant 2 : i32
    %mul3A_18 = arith.muli %mul3A_17, %add3A : i32
    %jit3A_19 = arith.constant 16 : i32
    %eq3A = arith.constant 0 : i32
    %eq3A_20 = arith.cmpi eq, %jit3A_19, %eq3A : i32
    %jit3A_21 = arith.constant 1 : i32
    %select_n3A_22 = arith.select %eq3A_20, %jit3A_21, %jit3A_19 : i32
    %rem3A_23 = arith.remsi %mul3A_18, %select_n3A_22 : i32
    %ne3A_24 = arith.constant 0 : i32
    %ne3A_25 = arith.cmpi ne, %rem3A_23, %ne3A_24 : i32
    %lt3A = arith.constant 0 : i32
    %lt3A_26 = arith.cmpi slt, %rem3A_23, %lt3A : i32
    %lt3A_27 = arith.constant 0 : i32
    %lt3A_28 = arith.cmpi slt, %select_n3A_22, %lt3A_27 : i32
    %ne3A_29 = arith.xori %lt3A_26, %lt3A_28 : i1
    %and3A_30 = arith.andi %ne3A_29, %ne3A_25 : i1
    %add3A_31 = arith.addi %rem3A_23, %select_n3A_22 : i32
    %select_n3A_32 = arith.select %and3A_30, %add3A_31, %rem3A_23 : i32
    %add3A_33 = arith.constant 1 : i32
    %add3A_34 = arith.addi %select_n3A_32, %add3A_33 : i32
    %mul3A_35 = arith.constant 320000 : i32
    %mul3A_36 = arith.muli %select_n3A, %mul3A_35 : i32
    %broadcast_in_dim3A = arith.constant 0.000000e+00 : f32
    %broadcast_in_dim3A_37 = vector.broadcast %broadcast_in_dim3A : f32 to vector<16xf32>
    %broadcast_in_dim3A_38 = arith.constant 0 : i32
    %broadcast_in_dim3A_39 = vector.broadcast %broadcast_in_dim3A_38 : i32 to vector<16xi32>
    %broadcast_in_dim3A_40 = arith.constant 1 : i32
    %broadcast_in_dim3A_41 = vector.broadcast %broadcast_in_dim3A_40 : i32 to vector<16xi32>
    %dma_start3A = arith.constant 0 : i32
    %dma_start3A_42 = tpu.memref_slice %arg2[%dma_start3A] : memref<320000xi32, #tpu.memory_space<hbm>> -> memref<16000xi32, #tpu.memory_space<hbm>>
    %dma_start3A_43 = arith.constant 0 : i32
    %dma_start3A_44 = tpu.memref_slice %arg2[%dma_start3A_43] : memref<320000xi32, #tpu.memory_space<hbm>> -> memref<16000xi32, #tpu.memory_space<hbm>>
    tpu.enqueue_dma source(%dma_start3A_44 : memref<16000xi32, #tpu.memory_space<hbm>>) target(%arg8 : memref<16000xi32, #tpu.memory_space<vmem>>) target_semaphore(%arg13 : memref<!tpu.dma_semaphore, #tpu.memory_space<semaphore_mem>>)
    %add3A_45 = arith.constant 0 : i32
    %add3A_46 = arith.addi %mul3A_36, %add3A_45 : i32
    %dma_start3A_47 = tpu.memref_slice %arg3[%add3A_46] : memref<1280000xi32, #tpu.memory_space<hbm>> -> memref<16000xi32, #tpu.memory_space<hbm>>
    %dma_start3A_48 = tpu.memref_slice %arg3[%add3A_46] : memref<1280000xi32, #tpu.memory_space<hbm>> -> memref<16000xi32, #tpu.memory_space<hbm>>
    tpu.enqueue_dma source(%dma_start3A_48 : memref<16000xi32, #tpu.memory_space<hbm>>) target(%arg10 : memref<16000xi32, #tpu.memory_space<vmem>>) target_semaphore(%arg13 : memref<!tpu.dma_semaphore, #tpu.memory_space<semaphore_mem>>)
    %dma_start3A_49 = arith.constant 16000 : i32
    %dma_start3A_50 = tpu.memref_slice %arg2[%dma_start3A_49] : memref<320000xi32, #tpu.memory_space<hbm>> -> memref<16000xi32, #tpu.memory_space<hbm>>
    %dma_start3A_51 = arith.constant 16000 : i32
    %dma_start3A_52 = tpu.memref_slice %arg2[%dma_start3A_51] : memref<320000xi32, #tpu.memory_space<hbm>> -> memref<16000xi32, #tpu.memory_space<hbm>>
    tpu.enqueue_dma source(%dma_start3A_52 : memref<16000xi32, #tpu.memory_space<hbm>>) target(%arg9 : memref<16000xi32, #tpu.memory_space<vmem>>) target_semaphore(%arg14 : memref<!tpu.dma_semaphore, #tpu.memory_space<semaphore_mem>>)
    %add3A_53 = arith.constant 16000 : i32
    %add3A_54 = arith.addi %mul3A_36, %add3A_53 : i32
    %dma_start3A_55 = tpu.memref_slice %arg3[%add3A_54] : memref<1280000xi32, #tpu.memory_space<hbm>> -> memref<16000xi32, #tpu.memory_space<hbm>>
    %dma_start3A_56 = tpu.memref_slice %arg3[%add3A_54] : memref<1280000xi32, #tpu.memory_space<hbm>> -> memref<16000xi32, #tpu.memory_space<hbm>>
    tpu.enqueue_dma source(%dma_start3A_56 : memref<16000xi32, #tpu.memory_space<hbm>>) target(%arg11 : memref<16000xi32, #tpu.memory_space<vmem>>) target_semaphore(%arg14 : memref<!tpu.dma_semaphore, #tpu.memory_space<semaphore_mem>>)
    %scan3A = arith.constant 0 : i32
    %scan3A_57 = arith.constant 0 : i32
    %scan3A_58 = arith.constant 1250 : i32
    %scan3A_59 = arith.addi %scan3A_57, %scan3A_58 : i32
    %scan3A_60 = arith.constant 1 : i32
    %scan3A_61 = scf.for %scan3A_88 = %scan3A_57 to %scan3A_59 step %scan3A_60 iter_args(%scan3A_89 = %scan3A) -> (i32)  : i32 {
      %mul3A_90 = arith.constant 16 : i32
      %mul3A_91 = arith.muli %scan3A_88, %mul3A_90 : i32
      %swap3A = arith.index_cast %mul3A_91 : i32 to index
      %swap3A_92 = tpu.vector_load %arg6[%swap3A] {strides = array<i32>} : memref<20000xf32, #tpu.memory_space<vmem>>, vector<16xf32>,
      tpu.vector_store %arg6[%swap3A], %broadcast_in_dim3A_37 {strides = array<i32>} : memref<20000xf32, #tpu.memory_space<vmem>>, vector<16xf32>,
      %mul3A_93 = arith.constant 16 : i32
      %mul3A_94 = arith.muli %scan3A_88, %mul3A_93 : i32
      %swap3A_95 = arith.index_cast %mul3A_94 : i32 to index
      %swap3A_96 = tpu.vector_load %arg7[%swap3A_95] {strides = array<i32>} : memref<20000xf32, #tpu.memory_space<vmem>>, vector<16xf32>,
      tpu.vector_store %arg7[%swap3A_95], %broadcast_in_dim3A_37 {strides = array<i32>} : memref<20000xf32, #tpu.memory_space<vmem>>, vector<16xf32>,
      %scan3A_97 = arith.constant 0 : i32
      scf.yield %scan3A_97 : i32
    }
    %scan3A_62 = arith.constant 1250 : i32
    %scan3A_63 = arith.constant 0 : i32
    %scan3A_64 = arith.constant 0 : i32
    %scan3A_65 = arith.constant 640 : i32
    %scan3A_66 = arith.addi %scan3A_64, %scan3A_65 : i32
    %scan3A_67 = arith.constant 1 : i32
    %scan3A_68 = scf.for %scan3A_88 = %scan3A_64 to %scan3A_66 step %scan3A_67 iter_args(%scan3A_89 = %scan3A_63) -> (i32)  : i32 {
      %mul3A_90 = arith.constant 16 : i32
      %mul3A_91 = arith.muli %scan3A_88, %mul3A_90 : i32
      %swap3A = arith.index_cast %mul3A_91 : i32 to index
      %swap3A_92 = tpu.vector_load %arg12[%swap3A] {strides = array<i32>} : memref<10240xi32, #tpu.memory_space<vmem>>, vector<16xi32>,
      tpu.vector_store %arg12[%swap3A], %broadcast_in_dim3A_39 {strides = array<i32>} : memref<10240xi32, #tpu.memory_space<vmem>>, vector<16xi32>,
      %scan3A_93 = arith.constant 0 : i32
      scf.yield %scan3A_93 : i32
    }
    %scan3A_69 = arith.constant 640 : i32
    "tpu.region"() ({
      %run_scoped3A = tpu.sem_alloc : memref<!tpu.dma_semaphore, #tpu.memory_space<semaphore_mem>>
      %dma_start3A_88 = arith.constant 0 : i32
      %dma_start3A_89 = tpu.memref_slice %arg2[%dma_start3A_88] : memref<320000xi32, #tpu.memory_space<hbm>> -> memref<10000xi32, #tpu.memory_space<hbm>>
      %dma_start3A_90 = arith.constant 0 : i32
      %dma_start3A_91 = tpu.memref_slice %arg2[%dma_start3A_90] : memref<320000xi32, #tpu.memory_space<hbm>> -> memref<10000xi32, #tpu.memory_space<hbm>>
      tpu.enqueue_dma source(%dma_start3A_91 : memref<10000xi32, #tpu.memory_space<hbm>>) target(%arg5 : memref<10000xi32, #tpu.memory_space<vmem>>) target_semaphore(%run_scoped3A : memref<!tpu.dma_semaphore, #tpu.memory_space<semaphore_mem>>)
      %dma_wait3A = arith.constant 0 : i32
      %dma_wait3A_92 = tpu.memref_slice %arg2[%dma_wait3A] : memref<320000xi32, #tpu.memory_space<hbm>> -> memref<10000xi32, #tpu.memory_space<hbm>>
      %dma_wait3A_93 = arith.constant 0 : i32
      %dma_wait3A_94 = tpu.memref_slice %arg2[%dma_wait3A_93] : memref<320000xi32, #tpu.memory_space<hbm>> -> memref<10000xi32, #tpu.memory_space<hbm>>
      tpu.wait_dma2 semaphore(%run_scoped3A : memref<!tpu.dma_semaphore, #tpu.memory_space<semaphore_mem>>) src(%dma_wait3A_94 : memref<10000xi32, #tpu.memory_space<hbm>>) dst(%arg5 : memref<10000xi32, #tpu.memory_space<vmem>>)
      tpu.yield
    }) : () -> ()
    %scan3A_70 = arith.constant 0 : i32
    %scan3A_71 = arith.constant 0 : i32
    %scan3A_72 = arith.constant 10 : i32
    %scan3A_73 = arith.addi %scan3A_71, %scan3A_72 : i32
    %scan3A_74 = arith.constant 1 : i32
    %scan3A_75 = scf.for %scan3A_88 = %scan3A_71 to %scan3A_73 step %scan3A_74 iter_args(%scan3A_89 = %scan3A_70) -> (i32)  : i32 {
      %mul3A_90 = arith.constant 2 : i32
      %mul3A_91 = arith.muli %mul3A_90, %scan3A_88 : i32
      %dma_wait3A = arith.constant 0 : i32
      %dma_wait3A_92 = tpu.memref_slice %arg2[%dma_wait3A] : memref<320000xi32, #tpu.memory_space<hbm>> -> memref<16000xi32, #tpu.memory_space<hbm>>
      %dma_wait3A_93 = arith.constant 0 : i32
      %dma_wait3A_94 = tpu.memref_slice %arg2[%dma_wait3A_93] : memref<320000xi32, #tpu.memory_space<hbm>> -> memref<16000xi32, #tpu.memory_space<hbm>>
      tpu.wait_dma2 semaphore(%arg13 : memref<!tpu.dma_semaphore, #tpu.memory_space<semaphore_mem>>) src(%dma_wait3A_94 : memref<16000xi32, #tpu.memory_space<hbm>>) dst(%arg8 : memref<16000xi32, #tpu.memory_space<vmem>>)
      %dma_wait3A_95 = arith.constant 0 : i32
      %dma_wait3A_96 = tpu.memref_slice %arg3[%dma_wait3A_95] : memref<1280000xi32, #tpu.memory_space<hbm>> -> memref<16000xi32, #tpu.memory_space<hbm>>
      %dma_wait3A_97 = arith.constant 0 : i32
      %dma_wait3A_98 = tpu.memref_slice %arg3[%dma_wait3A_97] : memref<1280000xi32, #tpu.memory_space<hbm>> -> memref<16000xi32, #tpu.memory_space<hbm>>
      tpu.wait_dma2 semaphore(%arg13 : memref<!tpu.dma_semaphore, #tpu.memory_space<semaphore_mem>>) src(%dma_wait3A_98 : memref<16000xi32, #tpu.memory_space<hbm>>) dst(%arg10 : memref<16000xi32, #tpu.memory_space<vmem>>)
      %scan3A_99 = arith.constant 0 : i32
      %scan3A_100 = arith.constant 0 : i32
      %scan3A_101 = arith.constant 100 : i32
      %scan3A_102 = arith.addi %scan3A_100, %scan3A_101 : i32
      %scan3A_103 = arith.constant 1 : i32
      %scan3A_104 = scf.for %scan3A_134 = %scan3A_100 to %scan3A_102 step %scan3A_103 iter_args(%scan3A_135 = %scan3A_99) -> (i32)  : i32 {
        %mul3A_136 = arith.constant 160 : i32
        %mul3A_137 = arith.muli %scan3A_134, %mul3A_136 : i32
        %add3A_138 = arith.constant 0 : i32
        %add3A_139 = arith.addi %mul3A_137, %add3A_138 : i32
        %get3A = arith.index_cast %add3A_139 : i32 to index
        %get3A_140 = tpu.vector_load %arg8[%get3A] {strides = array<i32>} : memref<16000xi32, #tpu.memory_space<vmem>>, vector<16xi32>,
        %add3A_141 = arith.constant 16 : i32
        %add3A_142 = arith.addi %mul3A_137, %add3A_141 : i32
        %get3A_143 = arith.index_cast %add3A_142 : i32 to index
        %get3A_144 = tpu.vector_load %arg8[%get3A_143] {strides = array<i32>} : memref<16000xi32, #tpu.memory_space<vmem>>, vector<16xi32>,
        %add3A_145 = arith.constant 32 : i32
        %add3A_146 = arith.addi %mul3A_137, %add3A_145 : i32
        %get3A_147 = arith.index_cast %add3A_146 : i32 to index
        %get3A_148 = tpu.vector_load %arg8[%get3A_147] {strides = array<i32>} : memref<16000xi32, #tpu.memory_space<vmem>>, vector<16xi32>,
        %add3A_149 = arith.constant 48 : i32
        %add3A_150 = arith.addi %mul3A_137, %add3A_149 : i32
        %get3A_151 = arith.index_cast %add3A_150 : i32 to index
        %get3A_152 = tpu.vector_load %arg8[%get3A_151] {strides = array<i32>} : memref<16000xi32, #tpu.memory_space<vmem>>, vector<16xi32>,
        %add3A_153 = arith.constant 64 : i32
        %add3A_154 = arith.addi %mul3A_137, %add3A_153 : i32
        %get3A_155 = arith.index_cast %add3A_154 : i32 to index
        %get3A_156 = tpu.vector_load %arg8[%get3A_155] {strides = array<i32>} : memref<16000xi32, #tpu.memory_space<vmem>>, vector<16xi32>,
        %add3A_157 = arith.constant 80 : i32
        %add3A_158 = arith.addi %mul3A_137, %add3A_157 : i32
        %get3A_159 = arith.index_cast %add3A_158 : i32 to index
        %get3A_160 = tpu.vector_load %arg8[%get3A_159] {strides = array<i32>} : memref<16000xi32, #tpu.memory_space<vmem>>, vector<16xi32>,
        %add3A_161 = arith.constant 96 : i32
        %add3A_162 = arith.addi %mul3A_137, %add3A_161 : i32
        %get3A_163 = arith.index_cast %add3A_162 : i32 to index
        %get3A_164 = tpu.vector_load %arg8[%get3A_163] {strides = array<i32>} : memref<16000xi32, #tpu.memory_space<vmem>>, vector<16xi32>,
        %add3A_165 = arith.constant 112 : i32
        %add3A_166 = arith.addi %mul3A_137, %add3A_165 : i32
        %get3A_167 = arith.index_cast %add3A_166 : i32 to index
        %get3A_168 = tpu.vector_load %arg8[%get3A_167] {strides = array<i32>} : memref<16000xi32, #tpu.memory_space<vmem>>, vector<16xi32>,
        %add3A_169 = arith.constant 128 : i32
        %add3A_170 = arith.addi %mul3A_137, %add3A_169 : i32
        %get3A_171 = arith.index_cast %add3A_170 : i32 to index
        %get3A_172 = tpu.vector_load %arg8[%get3A_171] {strides = array<i32>} : memref<16000xi32, #tpu.memory_space<vmem>>, vector<16xi32>,
        %add3A_173 = arith.constant 144 : i32
        %add3A_174 = arith.addi %mul3A_137, %add3A_173 : i32
        %get3A_175 = arith.index_cast %add3A_174 : i32 to index
        %get3A_176 = tpu.vector_load %arg8[%get3A_175] {strides = array<i32>} : memref<16000xi32, #tpu.memory_space<vmem>>, vector<16xi32>,
        %add3A_177 = arith.constant 0 : i32
        %add3A_178 = arith.addi %mul3A_137, %add3A_177 : i32
        %get3A_179 = arith.index_cast %add3A_178 : i32 to index
        %get3A_180 = tpu.vector_load %arg10[%get3A_179] {strides = array<i32>} : memref<16000xi32, #tpu.memory_space<vmem>>, vector<16xi32>,
        %add3A_181 = arith.constant 16 : i32
        %add3A_182 = arith.addi %mul3A_137, %add3A_181 : i32
        %get3A_183 = arith.index_cast %add3A_182 : i32 to index
        %get3A_184 = tpu.vector_load %arg10[%get3A_183] {strides = array<i32>} : memref<16000xi32, #tpu.memory_space<vmem>>, vector<16xi32>,
        %add3A_185 = arith.constant 32 : i32
        %add3A_186 = arith.addi %mul3A_137, %add3A_185 : i32
        %get3A_187 = arith.index_cast %add3A_186 : i32 to index
        %get3A_188 = tpu.vector_load %arg10[%get3A_187] {strides = array<i32>} : memref<16000xi32, #tpu.memory_space<vmem>>, vector<16xi32>,
        %add3A_189 = arith.constant 48 : i32
        %add3A_190 = arith.addi %mul3A_137, %add3A_189 : i32
        %get3A_191 = arith.index_cast %add3A_190 : i32 to index
        %get3A_192 = tpu.vector_load %arg10[%get3A_191] {strides = array<i32>} : memref<16000xi32, #tpu.memory_space<vmem>>, vector<16xi32>,
        %add3A_193 = arith.constant 64 : i32
        %add3A_194 = arith.addi %mul3A_137, %add3A_193 : i32
        %get3A_195 = arith.index_cast %add3A_194 : i32 to index
        %get3A_196 = tpu.vector_load %arg10[%get3A_195] {strides = array<i32>} : memref<16000xi32, #tpu.memory_space<vmem>>, vector<16xi32>,
        %add3A_197 = arith.constant 80 : i32
        %add3A_198 = arith.addi %mul3A_137, %add3A_197 : i32
        %get3A_199 = arith.index_cast %add3A_198 : i32 to index
        %get3A_200 = tpu.vector_load %arg10[%get3A_199] {strides = array<i32>} : memref<16000xi32, #tpu.memory_space<vmem>>, vector<16xi32>,
        %add3A_201 = arith.constant 96 : i32
        %add3A_202 = arith.addi %mul3A_137, %add3A_201 : i32
        %get3A_203 = arith.index_cast %add3A_202 : i32 to index
        %get3A_204 = tpu.vector_load %arg10[%get3A_203] {strides = array<i32>} : memref<16000xi32, #tpu.memory_space<vmem>>, vector<16xi32>,
        %add3A_205 = arith.constant 112 : i32
        %add3A_206 = arith.addi %mul3A_137, %add3A_205 : i32
        %get3A_207 = arith.index_cast %add3A_206 : i32 to index
        %get3A_208 = tpu.vector_load %arg10[%get3A_207] {strides = array<i32>} : memref<16000xi32, #tpu.memory_space<vmem>>, vector<16xi32>,
        %add3A_209 = arith.constant 128 : i32
        %add3A_210 = arith.addi %mul3A_137, %add3A_209 : i32
        %get3A_211 = arith.index_cast %add3A_210 : i32 to index
        %get3A_212 = tpu.vector_load %arg10[%get3A_211] {strides = array<i32>} : memref<16000xi32, #tpu.memory_space<vmem>>, vector<16xi32>,
        %add3A_213 = arith.constant 144 : i32
        %add3A_214 = arith.addi %mul3A_137, %add3A_213 : i32
        %get3A_215 = arith.index_cast %add3A_214 : i32 to index
        %get3A_216 = tpu.vector_load %arg10[%get3A_215] {strides = array<i32>} : memref<16000xi32, #tpu.memory_space<vmem>>, vector<16xi32>,
        %gather3A = tpu.vector_load_idx %arg5[%get3A_140] : memref<10000xi32, #tpu.memory_space<vmem>>[vector<16xi32>], vector<16xi32>,
        %gather3A_217 = tpu.vector_load_idx %arg5[%get3A_144] : memref<10000xi32, #tpu.memory_space<vmem>>[vector<16xi32>], vector<16xi32>,
        %gather3A_218 = tpu.vector_load_idx %arg5[%get3A_148] : memref<10000xi32, #tpu.memory_space<vmem>>[vector<16xi32>], vector<16xi32>,
        %gather3A_219 = tpu.vector_load_idx %arg5[%get3A_152] : memref<10000xi32, #tpu.memory_space<vmem>>[vector<16xi32>], vector<16xi32>,
        %gather3A_220 = tpu.vector_load_idx %arg5[%get3A_156] : memref<10000xi32, #tpu.memory_space<vmem>>[vector<16xi32>], vector<16xi32>,
        %gather3A_221 = tpu.vector_load_idx %arg5[%get3A_160] : memref<10000xi32, #tpu.memory_space<vmem>>[vector<16xi32>], vector<16xi32>,
        %gather3A_222 = tpu.vector_load_idx %arg5[%get3A_164] : memref<10000xi32, #tpu.memory_space<vmem>>[vector<16xi32>], vector<16xi32>,
        %gather3A_223 = tpu.vector_load_idx %arg5[%get3A_168] : memref<10000xi32, #tpu.memory_space<vmem>>[vector<16xi32>], vector<16xi32>,
        %gather3A_224 = tpu.vector_load_idx %arg5[%get3A_172] : memref<10000xi32, #tpu.memory_space<vmem>>[vector<16xi32>], vector<16xi32>,
        %gather3A_225 = tpu.vector_load_idx %arg5[%get3A_176] : memref<10000xi32, #tpu.memory_space<vmem>>[vector<16xi32>], vector<16xi32>,
        %eq3A_226 = vector.broadcast %add3A_34 : i32 to vector<16xi32>
        %eq3A_227 = arith.cmpi eq, %get3A_180, %eq3A_226 : vector<16xi32>
        %eq3A_228 = vector.broadcast %add3A_34 : i32 to vector<16xi32>
        %eq3A_229 = arith.cmpi eq, %get3A_184, %eq3A_228 : vector<16xi32>
        %eq3A_230 = vector.broadcast %add3A_34 : i32 to vector<16xi32>
        %eq3A_231 = arith.cmpi eq, %get3A_188, %eq3A_230 : vector<16xi32>
        %eq3A_232 = vector.broadcast %add3A_34 : i32 to vector<16xi32>
        %eq3A_233 = arith.cmpi eq, %get3A_192, %eq3A_232 : vector<16xi32>
        %eq3A_234 = vector.broadcast %add3A_34 : i32 to vector<16xi32>
        %eq3A_235 = arith.cmpi eq, %get3A_196, %eq3A_234 : vector<16xi32>
        %eq3A_236 = vector.broadcast %add3A_34 : i32 to vector<16xi32>
        %eq3A_237 = arith.cmpi eq, %get3A_200, %eq3A_236 : vector<16xi32>
        %eq3A_238 = vector.broadcast %add3A_34 : i32 to vector<16xi32>
        %eq3A_239 = arith.cmpi eq, %get3A_204, %eq3A_238 : vector<16xi32>
        %eq3A_240 = vector.broadcast %add3A_34 : i32 to vector<16xi32>
        %eq3A_241 = arith.cmpi eq, %get3A_208, %eq3A_240 : vector<16xi32>
        %eq3A_242 = vector.broadcast %add3A_34 : i32 to vector<16xi32>
        %eq3A_243 = arith.cmpi eq, %get3A_212, %eq3A_242 : vector<16xi32>
        %eq3A_244 = vector.broadcast %add3A_34 : i32 to vector<16xi32>
        %eq3A_245 = arith.cmpi eq, %get3A_216, %eq3A_244 : vector<16xi32>
        %eq3A_246 = vector.broadcast %select_n3A_32 : i32 to vector<16xi32>
        %eq3A_247 = arith.cmpi eq, %get3A_180, %eq3A_246 : vector<16xi32>
        %or3A = arith.ori %eq3A_247, %eq3A_227 : vector<16xi1>
        %eq3A_248 = vector.broadcast %select_n3A_32 : i32 to vector<16xi32>
        %eq3A_249 = arith.cmpi eq, %get3A_184, %eq3A_248 : vector<16xi32>
        %or3A_250 = arith.ori %eq3A_249, %eq3A_229 : vector<16xi1>
        %eq3A_251 = vector.broadcast %select_n3A_32 : i32 to vector<16xi32>
        %eq3A_252 = arith.cmpi eq, %get3A_188, %eq3A_251 : vector<16xi32>
        %or3A_253 = arith.ori %eq3A_252, %eq3A_231 : vector<16xi1>
        %eq3A_254 = vector.broadcast %select_n3A_32 : i32 to vector<16xi32>
        %eq3A_255 = arith.cmpi eq, %get3A_192, %eq3A_254 : vector<16xi32>
        %or3A_256 = arith.ori %eq3A_255, %eq3A_233 : vector<16xi1>
        %eq3A_257 = vector.broadcast %select_n3A_32 : i32 to vector<16xi32>
        %eq3A_258 = arith.cmpi eq, %get3A_196, %eq3A_257 : vector<16xi32>
        %or3A_259 = arith.ori %eq3A_258, %eq3A_235 : vector<16xi1>
        %eq3A_260 = vector.broadcast %select_n3A_32 : i32 to vector<16xi32>
        %eq3A_261 = arith.cmpi eq, %get3A_200, %eq3A_260 : vector<16xi32>
        %or3A_262 = arith.ori %eq3A_261, %eq3A_237 : vector<16xi1>
        %eq3A_263 = vector.broadcast %select_n3A_32 : i32 to vector<16xi32>
        %eq3A_264 = arith.cmpi eq, %get3A_204, %eq3A_263 : vector<16xi32>
        %or3A_265 = arith.ori %eq3A_264, %eq3A_239 : vector<16xi1>
        %eq3A_266 = vector.broadcast %select_n3A_32 : i32 to vector<16xi32>
        %eq3A_267 = arith.cmpi eq, %get3A_208, %eq3A_266 : vector<16xi32>
        %or3A_268 = arith.ori %eq3A_267, %eq3A_241 : vector<16xi1>
        %eq3A_269 = vector.broadcast %select_n3A_32 : i32 to vector<16xi32>
        %eq3A_270 = arith.cmpi eq, %get3A_212, %eq3A_269 : vector<16xi32>
        %or3A_271 = arith.ori %eq3A_270, %eq3A_243 : vector<16xi1>
        %eq3A_272 = vector.broadcast %select_n3A_32 : i32 to vector<16xi32>
        %eq3A_273 = arith.cmpi eq, %get3A_216, %eq3A_272 : vector<16xi32>
        %or3A_274 = arith.ori %eq3A_273, %eq3A_245 : vector<16xi1>
        %jit3A_275 = arith.constant 10000 : i32
        %jit3A_276 = arith.constant 0 : i32
        %broadcast_in_dim3A_277 = vector.broadcast %jit3A_275 : i32 to vector<16xi32>
        %broadcast_in_dim3A_278 = vector.broadcast %jit3A_276 : i32 to vector<16xi32>
        %select_n3A_279 = arith.select %eq3A_227, %broadcast_in_dim3A_277, %broadcast_in_dim3A_278 : vector<16xi1>, vector<16xi32>
        %add3A_280 = arith.addi %gather3A, %select_n3A_279 : vector<16xi32>
        %jit3A_281 = arith.constant 10000 : i32
        %jit3A_282 = arith.constant 0 : i32
        %broadcast_in_dim3A_283 = vector.broadcast %jit3A_281 : i32 to vector<16xi32>
        %broadcast_in_dim3A_284 = vector.broadcast %jit3A_282 : i32 to vector<16xi32>
        %select_n3A_285 = arith.select %eq3A_229, %broadcast_in_dim3A_283, %broadcast_in_dim3A_284 : vector<16xi1>, vector<16xi32>
        %add3A_286 = arith.addi %gather3A_217, %select_n3A_285 : vector<16xi32>
        %jit3A_287 = arith.constant 10000 : i32
        %jit3A_288 = arith.constant 0 : i32
        %broadcast_in_dim3A_289 = vector.broadcast %jit3A_287 : i32 to vector<16xi32>
        %broadcast_in_dim3A_290 = vector.broadcast %jit3A_288 : i32 to vector<16xi32>
        %select_n3A_291 = arith.select %eq3A_231, %broadcast_in_dim3A_289, %broadcast_in_dim3A_290 : vector<16xi1>, vector<16xi32>
        %add3A_292 = arith.addi %gather3A_218, %select_n3A_291 : vector<16xi32>
        %jit3A_293 = arith.constant 10000 : i32
        %jit3A_294 = arith.constant 0 : i32
        %broadcast_in_dim3A_295 = vector.broadcast %jit3A_293 : i32 to vector<16xi32>
        %broadcast_in_dim3A_296 = vector.broadcast %jit3A_294 : i32 to vector<16xi32>
        %select_n3A_297 = arith.select %eq3A_233, %broadcast_in_dim3A_295, %broadcast_in_dim3A_296 : vector<16xi1>, vector<16xi32>
        %add3A_298 = arith.addi %gather3A_219, %select_n3A_297 : vector<16xi32>
        %jit3A_299 = arith.constant 10000 : i32
        %jit3A_300 = arith.constant 0 : i32
        %broadcast_in_dim3A_301 = vector.broadcast %jit3A_299 : i32 to vector<16xi32>
        %broadcast_in_dim3A_302 = vector.broadcast %jit3A_300 : i32 to vector<16xi32>
        %select_n3A_303 = arith.select %eq3A_235, %broadcast_in_dim3A_301, %broadcast_in_dim3A_302 : vector<16xi1>, vector<16xi32>
        %add3A_304 = arith.addi %gather3A_220, %select_n3A_303 : vector<16xi32>
        %jit3A_305 = arith.constant 10000 : i32
        %jit3A_306 = arith.constant 0 : i32
        %broadcast_in_dim3A_307 = vector.broadcast %jit3A_305 : i32 to vector<16xi32>
        %broadcast_in_dim3A_308 = vector.broadcast %jit3A_306 : i32 to vector<16xi32>
        %select_n3A_309 = arith.select %eq3A_237, %broadcast_in_dim3A_307, %broadcast_in_dim3A_308 : vector<16xi1>, vector<16xi32>
        %add3A_310 = arith.addi %gather3A_221, %select_n3A_309 : vector<16xi32>
        %jit3A_311 = arith.constant 10000 : i32
        %jit3A_312 = arith.constant 0 : i32
        %broadcast_in_dim3A_313 = vector.broadcast %jit3A_311 : i32 to vector<16xi32>
        %broadcast_in_dim3A_314 = vector.broadcast %jit3A_312 : i32 to vector<16xi32>
        %select_n3A_315 = arith.select %eq3A_239, %broadcast_in_dim3A_313, %broadcast_in_dim3A_314 : vector<16xi1>, vector<16xi32>
        %add3A_316 = arith.addi %gather3A_222, %select_n3A_315 : vector<16xi32>
        %jit3A_317 = arith.constant 10000 : i32
        %jit3A_318 = arith.constant 0 : i32
        %broadcast_in_dim3A_319 = vector.broadcast %jit3A_317 : i32 to vector<16xi32>
        %broadcast_in_dim3A_320 = vector.broadcast %jit3A_318 : i32 to vector<16xi32>
        %select_n3A_321 = arith.select %eq3A_241, %broadcast_in_dim3A_319, %broadcast_in_dim3A_320 : vector<16xi1>, vector<16xi32>
        %add3A_322 = arith.addi %gather3A_223, %select_n3A_321 : vector<16xi32>
        %jit3A_323 = arith.constant 10000 : i32
        %jit3A_324 = arith.constant 0 : i32
        %broadcast_in_dim3A_325 = vector.broadcast %jit3A_323 : i32 to vector<16xi32>
        %broadcast_in_dim3A_326 = vector.broadcast %jit3A_324 : i32 to vector<16xi32>
        %select_n3A_327 = arith.select %eq3A_243, %broadcast_in_dim3A_325, %broadcast_in_dim3A_326 : vector<16xi1>, vector<16xi32>
        %add3A_328 = arith.addi %gather3A_224, %select_n3A_327 : vector<16xi32>
        %jit3A_329 = arith.constant 10000 : i32
        %jit3A_330 = arith.constant 0 : i32
        %broadcast_in_dim3A_331 = vector.broadcast %jit3A_329 : i32 to vector<16xi32>
        %broadcast_in_dim3A_332 = vector.broadcast %jit3A_330 : i32 to vector<16xi32>
        %select_n3A_333 = arith.select %eq3A_245, %broadcast_in_dim3A_331, %broadcast_in_dim3A_332 : vector<16xi1>, vector<16xi32>
        %add3A_334 = arith.addi %gather3A_225, %select_n3A_333 : vector<16xi32>
        %unique3A, %unique3A_335 = tpu.scan_count mask(%or3A : vector<16xi1>) value(%add3A_280 : vector<16xi32>) : vector<16xi1>, vector<16xi32>
        %unique3A_336, %unique3A_337 = tpu.scan_count mask(%or3A_250 : vector<16xi1>) value(%add3A_286 : vector<16xi32>) : vector<16xi1>, vector<16xi32>
        %unique3A_338, %unique3A_339 = tpu.scan_count mask(%or3A_253 : vector<16xi1>) value(%add3A_292 : vector<16xi32>) : vector<16xi1>, vector<16xi32>
        %unique3A_340, %unique3A_341 = tpu.scan_count mask(%or3A_256 : vector<16xi1>) value(%add3A_298 : vector<16xi32>) : vector<16xi1>, vector<16xi32>
        %unique3A_342, %unique3A_343 = tpu.scan_count mask(%or3A_259 : vector<16xi1>) value(%add3A_304 : vector<16xi32>) : vector<16xi1>, vector<16xi32>
        %unique3A_344, %unique3A_345 = tpu.scan_count mask(%or3A_262 : vector<16xi1>) value(%add3A_310 : vector<16xi32>) : vector<16xi1>, vector<16xi32>
        %unique3A_346, %unique3A_347 = tpu.scan_count mask(%or3A_265 : vector<16xi1>) value(%add3A_316 : vector<16xi32>) : vector<16xi1>, vector<16xi32>
        %unique3A_348, %unique3A_349 = tpu.scan_count mask(%or3A_268 : vector<16xi1>) value(%add3A_322 : vector<16xi32>) : vector<16xi1>, vector<16xi32>
        %unique3A_350, %unique3A_351 = tpu.scan_count mask(%or3A_271 : vector<16xi1>) value(%add3A_328 : vector<16xi32>) : vector<16xi1>, vector<16xi32>
        %unique3A_352, %unique3A_353 = tpu.scan_count mask(%or3A_274 : vector<16xi1>) value(%add3A_334 : vector<16xi32>) : vector<16xi1>, vector<16xi32>
        tpu.vector_store_idx %arg12[%get3A_140], %broadcast_in_dim3A_41 : memref<10240xi32, #tpu.memory_space<vmem>>[vector<16xi32>], vector<16xi32>,
        tpu.vector_store_idx %arg12[%get3A_144], %broadcast_in_dim3A_41 : memref<10240xi32, #tpu.memory_space<vmem>>[vector<16xi32>], vector<16xi32>,
        tpu.vector_store_idx %arg12[%get3A_148], %broadcast_in_dim3A_41 : memref<10240xi32, #tpu.memory_space<vmem>>[vector<16xi32>], vector<16xi32>,
        tpu.vector_store_idx %arg12[%get3A_152], %broadcast_in_dim3A_41 : memref<10240xi32, #tpu.memory_space<vmem>>[vector<16xi32>], vector<16xi32>,
        tpu.vector_store_idx %arg12[%get3A_156], %broadcast_in_dim3A_41 : memref<10240xi32, #tpu.memory_space<vmem>>[vector<16xi32>], vector<16xi32>,
        tpu.vector_store_idx %arg12[%get3A_160], %broadcast_in_dim3A_41 : memref<10240xi32, #tpu.memory_space<vmem>>[vector<16xi32>], vector<16xi32>,
        tpu.vector_store_idx %arg12[%get3A_164], %broadcast_in_dim3A_41 : memref<10240xi32, #tpu.memory_space<vmem>>[vector<16xi32>], vector<16xi32>,
        tpu.vector_store_idx %arg12[%get3A_168], %broadcast_in_dim3A_41 : memref<10240xi32, #tpu.memory_space<vmem>>[vector<16xi32>], vector<16xi32>,
        tpu.vector_store_idx %arg12[%get3A_172], %broadcast_in_dim3A_41 : memref<10240xi32, #tpu.memory_space<vmem>>[vector<16xi32>], vector<16xi32>,
        tpu.vector_store_idx %arg12[%get3A_176], %broadcast_in_dim3A_41 : memref<10240xi32, #tpu.memory_space<vmem>>[vector<16xi32>], vector<16xi32>,
        %convert_element_type3A_354 = arith.sitofp %unique3A_335 : vector<16xi32> to vector<16xf32>
        tpu.vector_store_idx %arg6[%add3A_280], %convert_element_type3A_354 masked %unique3A {add = true} : memref<20000xf32, #tpu.memory_space<vmem>>[vector<16xi32>], vector<16xf32>, vector<16xi1>
        %convert_element_type3A_355 = arith.sitofp %unique3A_337 : vector<16xi32> to vector<16xf32>
        tpu.vector_store_idx %arg6[%add3A_286], %convert_element_type3A_355 masked %unique3A_336 {add = true} : memref<20000xf32, #tpu.memory_space<vmem>>[vector<16xi32>], vector<16xf32>, vector<16xi1>
        %convert_element_type3A_356 = arith.sitofp %unique3A_339 : vector<16xi32> to vector<16xf32>
        tpu.vector_store_idx %arg6[%add3A_292], %convert_element_type3A_356 masked %unique3A_338 {add = true} : memref<20000xf32, #tpu.memory_space<vmem>>[vector<16xi32>], vector<16xf32>, vector<16xi1>
        %convert_element_type3A_357 = arith.sitofp %unique3A_341 : vector<16xi32> to vector<16xf32>
        tpu.vector_store_idx %arg6[%add3A_298], %convert_element_type3A_357 masked %unique3A_340 {add = true} : memref<20000xf32, #tpu.memory_space<vmem>>[vector<16xi32>], vector<16xf32>, vector<16xi1>
        %convert_element_type3A_358 = arith.sitofp %unique3A_343 : vector<16xi32> to vector<16xf32>
        tpu.vector_store_idx %arg6[%add3A_304], %convert_element_type3A_358 masked %unique3A_342 {add = true} : memref<20000xf32, #tpu.memory_space<vmem>>[vector<16xi32>], vector<16xf32>, vector<16xi1>
        %convert_element_type3A_359 = arith.sitofp %unique3A_345 : vector<16xi32> to vector<16xf32>
        tpu.vector_store_idx %arg6[%add3A_310], %convert_element_type3A_359 masked %unique3A_344 {add = true} : memref<20000xf32, #tpu.memory_space<vmem>>[vector<16xi32>], vector<16xf32>, vector<16xi1>
        %convert_element_type3A_360 = arith.sitofp %unique3A_347 : vector<16xi32> to vector<16xf32>
        tpu.vector_store_idx %arg6[%add3A_316], %convert_element_type3A_360 masked %unique3A_346 {add = true} : memref<20000xf32, #tpu.memory_space<vmem>>[vector<16xi32>], vector<16xf32>, vector<16xi1>
        %convert_element_type3A_361 = arith.sitofp %unique3A_349 : vector<16xi32> to vector<16xf32>
        tpu.vector_store_idx %arg6[%add3A_322], %convert_element_type3A_361 masked %unique3A_348 {add = true} : memref<20000xf32, #tpu.memory_space<vmem>>[vector<16xi32>], vector<16xf32>, vector<16xi1>
        %convert_element_type3A_362 = arith.sitofp %unique3A_351 : vector<16xi32> to vector<16xf32>
        tpu.vector_store_idx %arg6[%add3A_328], %convert_element_type3A_362 masked %unique3A_350 {add = true} : memref<20000xf32, #tpu.memory_space<vmem>>[vector<16xi32>], vector<16xf32>, vector<16xi1>
        %convert_element_type3A_363 = arith.sitofp %unique3A_353 : vector<16xi32> to vector<16xf32>
        tpu.vector_store_idx %arg6[%add3A_334], %convert_element_type3A_363 masked %unique3A_352 {add = true} : memref<20000xf32, #tpu.memory_space<vmem>>[vector<16xi32>], vector<16xf32>, vector<16xi1>
        %scan3A_364 = arith.constant 0 : i32
        scf.yield %scan3A_364 : i32
      }
      %scan3A_105 = arith.constant 100 : i32
      %add3A_106 = arith.constant 2 : i32
      %add3A_107 = arith.addi %mul3A_91, %add3A_106 : i32
      %lt3A_108 = arith.constant 20 : i32
      %lt3A_109 = arith.cmpi slt, %add3A_107, %lt3A_108 : i32
      %convert_element_type3A = arith.extui %lt3A_109 : i1 to i32
      %cond3A = arith.constant 0 : i32
      %cond3A_110 = arith.cmpi ne, %convert_element_type3A, %cond3A : i32
      scf.if %cond3A_110 {
        %add3A_134 = arith.constant 2 : i32
        %add3A_135 = arith.addi %mul3A_91, %add3A_134 : i32
        %mul3A_136 = arith.constant 16000 : i32
        %mul3A_137 = arith.muli %add3A_135, %mul3A_136 : i32
        %dma_start3A_138 = tpu.memref_slice %arg2[%mul3A_137] : memref<320000xi32, #tpu.memory_space<hbm>> -> memref<16000xi32, #tpu.memory_space<hbm>>
        %dma_start3A_139 = tpu.memref_slice %arg2[%mul3A_137] : memref<320000xi32, #tpu.memory_space<hbm>> -> memref<16000xi32, #tpu.memory_space<hbm>>
        tpu.enqueue_dma source(%dma_start3A_139 : memref<16000xi32, #tpu.memory_space<hbm>>) target(%arg8 : memref<16000xi32, #tpu.memory_space<vmem>>) target_semaphore(%arg13 : memref<!tpu.dma_semaphore, #tpu.memory_space<semaphore_mem>>)
        %add3A_140 = arith.addi %mul3A_36, %mul3A_137 : i32
        %dma_start3A_141 = tpu.memref_slice %arg3[%add3A_140] : memref<1280000xi32, #tpu.memory_space<hbm>> -> memref<16000xi32, #tpu.memory_space<hbm>>
        %dma_start3A_142 = tpu.memref_slice %arg3[%add3A_140] : memref<1280000xi32, #tpu.memory_space<hbm>> -> memref<16000xi32, #tpu.memory_space<hbm>>
        tpu.enqueue_dma source(%dma_start3A_142 : memref<16000xi32, #tpu.memory_space<hbm>>) target(%arg10 : memref<16000xi32, #tpu.memory_space<vmem>>) target_semaphore(%arg13 : memref<!tpu.dma_semaphore, #tpu.memory_space<semaphore_mem>>)
      } else {
      }
      %dma_wait3A_111 = arith.constant 0 : i32
      %dma_wait3A_112 = tpu.memref_slice %arg2[%dma_wait3A_111] : memref<320000xi32, #tpu.memory_space<hbm>> -> memref<16000xi32, #tpu.memory_space<hbm>>
      %dma_wait3A_113 = arith.constant 0 : i32
      %dma_wait3A_114 = tpu.memref_slice %arg2[%dma_wait3A_113] : memref<320000xi32, #tpu.memory_space<hbm>> -> memref<16000xi32, #tpu.memory_space<hbm>>
      tpu.wait_dma2 semaphore(%arg14 : memref<!tpu.dma_semaphore, #tpu.memory_space<semaphore_mem>>) src(%dma_wait3A_114 : memref<16000xi32, #tpu.memory_space<hbm>>) dst(%arg9 : memref<16000xi32, #tpu.memory_space<vmem>>)
      %dma_wait3A_115 = arith.constant 0 : i32
      %dma_wait3A_116 = tpu.memref_slice %arg3[%dma_wait3A_115] : memref<1280000xi32, #tpu.memory_space<hbm>> -> memref<16000xi32, #tpu.memory_space<hbm>>
      %dma_wait3A_117 = arith.constant 0 : i32
      %dma_wait3A_118 = tpu.memref_slice %arg3[%dma_wait3A_117] : memref<1280000xi32, #tpu.memory_space<hbm>> -> memref<16000xi32, #tpu.memory_space<hbm>>
      tpu.wait_dma2 semaphore(%arg14 : memref<!tpu.dma_semaphore, #tpu.memory_space<semaphore_mem>>) src(%dma_wait3A_118 : memref<16000xi32, #tpu.memory_space<hbm>>) dst(%arg11 : memref<16000xi32, #tpu.memory_space<vmem>>)
      %scan3A_119 = arith.constant 0 : i32
      %scan3A_120 = arith.constant 0 : i32
      %scan3A_121 = arith.constant 100 : i32
      %scan3A_122 = arith.addi %scan3A_120, %scan3A_121 : i32
      %scan3A_123 = arith.constant 1 : i32
      %scan3A_124 = scf.for %scan3A_134 = %scan3A_120 to %scan3A_122 step %scan3A_123 iter_args(%scan3A_135 = %scan3A_119) -> (i32)  : i32 {
        %mul3A_136 = arith.constant 160 : i32
        %mul3A_137 = arith.muli %scan3A_134, %mul3A_136 : i32
        %add3A_138 = arith.constant 0 : i32
        %add3A_139 = arith.addi %mul3A_137, %add3A_138 : i32
        %get3A = arith.index_cast %add3A_139 : i32 to index
        %get3A_140 = tpu.vector_load %arg9[%get3A] {strides = array<i32>} : memref<16000xi32, #tpu.memory_space<vmem>>, vector<16xi32>,
        %add3A_141 = arith.constant 16 : i32
        %add3A_142 = arith.addi %mul3A_137, %add3A_141 : i32
        %get3A_143 = arith.index_cast %add3A_142 : i32 to index
        %get3A_144 = tpu.vector_load %arg9[%get3A_143] {strides = array<i32>} : memref<16000xi32, #tpu.memory_space<vmem>>, vector<16xi32>,
        %add3A_145 = arith.constant 32 : i32
        %add3A_146 = arith.addi %mul3A_137, %add3A_145 : i32
        %get3A_147 = arith.index_cast %add3A_146 : i32 to index
        %get3A_148 = tpu.vector_load %arg9[%get3A_147] {strides = array<i32>} : memref<16000xi32, #tpu.memory_space<vmem>>, vector<16xi32>,
        %add3A_149 = arith.constant 48 : i32
        %add3A_150 = arith.addi %mul3A_137, %add3A_149 : i32
        %get3A_151 = arith.index_cast %add3A_150 : i32 to index
        %get3A_152 = tpu.vector_load %arg9[%get3A_151] {strides = array<i32>} : memref<16000xi32, #tpu.memory_space<vmem>>, vector<16xi32>,
        %add3A_153 = arith.constant 64 : i32
        %add3A_154 = arith.addi %mul3A_137, %add3A_153 : i32
        %get3A_155 = arith.index_cast %add3A_154 : i32 to index
        %get3A_156 = tpu.vector_load %arg9[%get3A_155] {strides = array<i32>} : memref<16000xi32, #tpu.memory_space<vmem>>, vector<16xi32>,
        %add3A_157 = arith.constant 80 : i32
        %add3A_158 = arith.addi %mul3A_137, %add3A_157 : i32
        %get3A_159 = arith.index_cast %add3A_158 : i32 to index
        %get3A_160 = tpu.vector_load %arg9[%get3A_159] {strides = array<i32>} : memref<16000xi32, #tpu.memory_space<vmem>>, vector<16xi32>,
        %add3A_161 = arith.constant 96 : i32
        %add3A_162 = arith.addi %mul3A_137, %add3A_161 : i32
        %get3A_163 = arith.index_cast %add3A_162 : i32 to index
        %get3A_164 = tpu.vector_load %arg9[%get3A_163] {strides = array<i32>} : memref<16000xi32, #tpu.memory_space<vmem>>, vector<16xi32>,
        %add3A_165 = arith.constant 112 : i32
        %add3A_166 = arith.addi %mul3A_137, %add3A_165 : i32
        %get3A_167 = arith.index_cast %add3A_166 : i32 to index
        %get3A_168 = tpu.vector_load %arg9[%get3A_167] {strides = array<i32>} : memref<16000xi32, #tpu.memory_space<vmem>>, vector<16xi32>,
        %add3A_169 = arith.constant 128 : i32
        %add3A_170 = arith.addi %mul3A_137, %add3A_169 : i32
        %get3A_171 = arith.index_cast %add3A_170 : i32 to index
        %get3A_172 = tpu.vector_load %arg9[%get3A_171] {strides = array<i32>} : memref<16000xi32, #tpu.memory_space<vmem>>, vector<16xi32>,
        %add3A_173 = arith.constant 144 : i32
        %add3A_174 = arith.addi %mul3A_137, %add3A_173 : i32
        %get3A_175 = arith.index_cast %add3A_174 : i32 to index
        %get3A_176 = tpu.vector_load %arg9[%get3A_175] {strides = array<i32>} : memref<16000xi32, #tpu.memory_space<vmem>>, vector<16xi32>,
        %add3A_177 = arith.constant 0 : i32
        %add3A_178 = arith.addi %mul3A_137, %add3A_177 : i32
        %get3A_179 = arith.index_cast %add3A_178 : i32 to index
        %get3A_180 = tpu.vector_load %arg11[%get3A_179] {strides = array<i32>} : memref<16000xi32, #tpu.memory_space<vmem>>, vector<16xi32>,
        %add3A_181 = arith.constant 16 : i32
        %add3A_182 = arith.addi %mul3A_137, %add3A_181 : i32
        %get3A_183 = arith.index_cast %add3A_182 : i32 to index
        %get3A_184 = tpu.vector_load %arg11[%get3A_183] {strides = array<i32>} : memref<16000xi32, #tpu.memory_space<vmem>>, vector<16xi32>,
        %add3A_185 = arith.constant 32 : i32
        %add3A_186 = arith.addi %mul3A_137, %add3A_185 : i32
        %get3A_187 = arith.index_cast %add3A_186 : i32 to index
        %get3A_188 = tpu.vector_load %arg11[%get3A_187] {strides = array<i32>} : memref<16000xi32, #tpu.memory_space<vmem>>, vector<16xi32>,
        %add3A_189 = arith.constant 48 : i32
        %add3A_190 = arith.addi %mul3A_137, %add3A_189 : i32
        %get3A_191 = arith.index_cast %add3A_190 : i32 to index
        %get3A_192 = tpu.vector_load %arg11[%get3A_191] {strides = array<i32>} : memref<16000xi32, #tpu.memory_space<vmem>>, vector<16xi32>,
        %add3A_193 = arith.constant 64 : i32
        %add3A_194 = arith.addi %mul3A_137, %add3A_193 : i32
        %get3A_195 = arith.index_cast %add3A_194 : i32 to index
        %get3A_196 = tpu.vector_load %arg11[%get3A_195] {strides = array<i32>} : memref<16000xi32, #tpu.memory_space<vmem>>, vector<16xi32>,
        %add3A_197 = arith.constant 80 : i32
        %add3A_198 = arith.addi %mul3A_137, %add3A_197 : i32
        %get3A_199 = arith.index_cast %add3A_198 : i32 to index
        %get3A_200 = tpu.vector_load %arg11[%get3A_199] {strides = array<i32>} : memref<16000xi32, #tpu.memory_space<vmem>>, vector<16xi32>,
        %add3A_201 = arith.constant 96 : i32
        %add3A_202 = arith.addi %mul3A_137, %add3A_201 : i32
        %get3A_203 = arith.index_cast %add3A_202 : i32 to index
        %get3A_204 = tpu.vector_load %arg11[%get3A_203] {strides = array<i32>} : memref<16000xi32, #tpu.memory_space<vmem>>, vector<16xi32>,
        %add3A_205 = arith.constant 112 : i32
        %add3A_206 = arith.addi %mul3A_137, %add3A_205 : i32
        %get3A_207 = arith.index_cast %add3A_206 : i32 to index
        %get3A_208 = tpu.vector_load %arg11[%get3A_207] {strides = array<i32>} : memref<16000xi32, #tpu.memory_space<vmem>>, vector<16xi32>,
        %add3A_209 = arith.constant 128 : i32
        %add3A_210 = arith.addi %mul3A_137, %add3A_209 : i32
        %get3A_211 = arith.index_cast %add3A_210 : i32 to index
        %get3A_212 = tpu.vector_load %arg11[%get3A_211] {strides = array<i32>} : memref<16000xi32, #tpu.memory_space<vmem>>, vector<16xi32>,
        %add3A_213 = arith.constant 144 : i32
        %add3A_214 = arith.addi %mul3A_137, %add3A_213 : i32
        %get3A_215 = arith.index_cast %add3A_214 : i32 to index
        %get3A_216 = tpu.vector_load %arg11[%get3A_215] {strides = array<i32>} : memref<16000xi32, #tpu.memory_space<vmem>>, vector<16xi32>,
        %gather3A = tpu.vector_load_idx %arg5[%get3A_140] : memref<10000xi32, #tpu.memory_space<vmem>>[vector<16xi32>], vector<16xi32>,
        %gather3A_217 = tpu.vector_load_idx %arg5[%get3A_144] : memref<10000xi32, #tpu.memory_space<vmem>>[vector<16xi32>], vector<16xi32>,
        %gather3A_218 = tpu.vector_load_idx %arg5[%get3A_148] : memref<10000xi32, #tpu.memory_space<vmem>>[vector<16xi32>], vector<16xi32>,
        %gather3A_219 = tpu.vector_load_idx %arg5[%get3A_152] : memref<10000xi32, #tpu.memory_space<vmem>>[vector<16xi32>], vector<16xi32>,
        %gather3A_220 = tpu.vector_load_idx %arg5[%get3A_156] : memref<10000xi32, #tpu.memory_space<vmem>>[vector<16xi32>], vector<16xi32>,
        %gather3A_221 = tpu.vector_load_idx %arg5[%get3A_160] : memref<10000xi32, #tpu.memory_space<vmem>>[vector<16xi32>], vector<16xi32>,
        %gather3A_222 = tpu.vector_load_idx %arg5[%get3A_164] : memref<10000xi32, #tpu.memory_space<vmem>>[vector<16xi32>], vector<16xi32>,
        %gather3A_223 = tpu.vector_load_idx %arg5[%get3A_168] : memref<10000xi32, #tpu.memory_space<vmem>>[vector<16xi32>], vector<16xi32>,
        %gather3A_224 = tpu.vector_load_idx %arg5[%get3A_172] : memref<10000xi32, #tpu.memory_space<vmem>>[vector<16xi32>], vector<16xi32>,
        %gather3A_225 = tpu.vector_load_idx %arg5[%get3A_176] : memref<10000xi32, #tpu.memory_space<vmem>>[vector<16xi32>], vector<16xi32>,
        %eq3A_226 = vector.broadcast %add3A_34 : i32 to vector<16xi32>
        %eq3A_227 = arith.cmpi eq, %get3A_180, %eq3A_226 : vector<16xi32>
        %eq3A_228 = vector.broadcast %add3A_34 : i32 to vector<16xi32>
        %eq3A_229 = arith.cmpi eq, %get3A_184, %eq3A_228 : vector<16xi32>
        %eq3A_230 = vector.broadcast %add3A_34 : i32 to vector<16xi32>
        %eq3A_231 = arith.cmpi eq, %get3A_188, %eq3A_230 : vector<16xi32>
        %eq3A_232 = vector.broadcast %add3A_34 : i32 to vector<16xi32>
        %eq3A_233 = arith.cmpi eq, %get3A_192, %eq3A_232 : vector<16xi32>
        %eq3A_234 = vector.broadcast %add3A_34 : i32 to vector<16xi32>
        %eq3A_235 = arith.cmpi eq, %get3A_196, %eq3A_234 : vector<16xi32>
        %eq3A_236 = vector.broadcast %add3A_34 : i32 to vector<16xi32>
        %eq3A_237 = arith.cmpi eq, %get3A_200, %eq3A_236 : vector<16xi32>
        %eq3A_238 = vector.broadcast %add3A_34 : i32 to vector<16xi32>
        %eq3A_239 = arith.cmpi eq, %get3A_204, %eq3A_238 : vector<16xi32>
        %eq3A_240 = vector.broadcast %add3A_34 : i32 to vector<16xi32>
        %eq3A_241 = arith.cmpi eq, %get3A_208, %eq3A_240 : vector<16xi32>
        %eq3A_242 = vector.broadcast %add3A_34 : i32 to vector<16xi32>
        %eq3A_243 = arith.cmpi eq, %get3A_212, %eq3A_242 : vector<16xi32>
        %eq3A_244 = vector.broadcast %add3A_34 : i32 to vector<16xi32>
        %eq3A_245 = arith.cmpi eq, %get3A_216, %eq3A_244 : vector<16xi32>
        %eq3A_246 = vector.broadcast %select_n3A_32 : i32 to vector<16xi32>
        %eq3A_247 = arith.cmpi eq, %get3A_180, %eq3A_246 : vector<16xi32>
        %or3A = arith.ori %eq3A_247, %eq3A_227 : vector<16xi1>
        %eq3A_248 = vector.broadcast %select_n3A_32 : i32 to vector<16xi32>
        %eq3A_249 = arith.cmpi eq, %get3A_184, %eq3A_248 : vector<16xi32>
        %or3A_250 = arith.ori %eq3A_249, %eq3A_229 : vector<16xi1>
        %eq3A_251 = vector.broadcast %select_n3A_32 : i32 to vector<16xi32>
        %eq3A_252 = arith.cmpi eq, %get3A_188, %eq3A_251 : vector<16xi32>
        %or3A_253 = arith.ori %eq3A_252, %eq3A_231 : vector<16xi1>
        %eq3A_254 = vector.broadcast %select_n3A_32 : i32 to vector<16xi32>
        %eq3A_255 = arith.cmpi eq, %get3A_192, %eq3A_254 : vector<16xi32>
        %or3A_256 = arith.ori %eq3A_255, %eq3A_233 : vector<16xi1>
        %eq3A_257 = vector.broadcast %select_n3A_32 : i32 to vector<16xi32>
        %eq3A_258 = arith.cmpi eq, %get3A_196, %eq3A_257 : vector<16xi32>
        %or3A_259 = arith.ori %eq3A_258, %eq3A_235 : vector<16xi1>
        %eq3A_260 = vector.broadcast %select_n3A_32 : i32 to vector<16xi32>
        %eq3A_261 = arith.cmpi eq, %get3A_200, %eq3A_260 : vector<16xi32>
        %or3A_262 = arith.ori %eq3A_261, %eq3A_237 : vector<16xi1>
        %eq3A_263 = vector.broadcast %select_n3A_32 : i32 to vector<16xi32>
        %eq3A_264 = arith.cmpi eq, %get3A_204, %eq3A_263 : vector<16xi32>
        %or3A_265 = arith.ori %eq3A_264, %eq3A_239 : vector<16xi1>
        %eq3A_266 = vector.broadcast %select_n3A_32 : i32 to vector<16xi32>
        %eq3A_267 = arith.cmpi eq, %get3A_208, %eq3A_266 : vector<16xi32>
        %or3A_268 = arith.ori %eq3A_267, %eq3A_241 : vector<16xi1>
        %eq3A_269 = vector.broadcast %select_n3A_32 : i32 to vector<16xi32>
        %eq3A_270 = arith.cmpi eq, %get3A_212, %eq3A_269 : vector<16xi32>
        %or3A_271 = arith.ori %eq3A_270, %eq3A_243 : vector<16xi1>
        %eq3A_272 = vector.broadcast %select_n3A_32 : i32 to vector<16xi32>
        %eq3A_273 = arith.cmpi eq, %get3A_216, %eq3A_272 : vector<16xi32>
        %or3A_274 = arith.ori %eq3A_273, %eq3A_245 : vector<16xi1>
        %jit3A_275 = arith.constant 10000 : i32
        %jit3A_276 = arith.constant 0 : i32
        %broadcast_in_dim3A_277 = vector.broadcast %jit3A_275 : i32 to vector<16xi32>
        %broadcast_in_dim3A_278 = vector.broadcast %jit3A_276 : i32 to vector<16xi32>
        %select_n3A_279 = arith.select %eq3A_227, %broadcast_in_dim3A_277, %broadcast_in_dim3A_278 : vector<16xi1>, vector<16xi32>
        %add3A_280 = arith.addi %gather3A, %select_n3A_279 : vector<16xi32>
        %jit3A_281 = arith.constant 10000 : i32
        %jit3A_282 = arith.constant 0 : i32
        %broadcast_in_dim3A_283 = vector.broadcast %jit3A_281 : i32 to vector<16xi32>
        %broadcast_in_dim3A_284 = vector.broadcast %jit3A_282 : i32 to vector<16xi32>
        %select_n3A_285 = arith.select %eq3A_229, %broadcast_in_dim3A_283, %broadcast_in_dim3A_284 : vector<16xi1>, vector<16xi32>
        %add3A_286 = arith.addi %gather3A_217, %select_n3A_285 : vector<16xi32>
        %jit3A_287 = arith.constant 10000 : i32
        %jit3A_288 = arith.constant 0 : i32
        %broadcast_in_dim3A_289 = vector.broadcast %jit3A_287 : i32 to vector<16xi32>
        %broadcast_in_dim3A_290 = vector.broadcast %jit3A_288 : i32 to vector<16xi32>
        %select_n3A_291 = arith.select %eq3A_231, %broadcast_in_dim3A_289, %broadcast_in_dim3A_290 : vector<16xi1>, vector<16xi32>
        %add3A_292 = arith.addi %gather3A_218, %select_n3A_291 : vector<16xi32>
        %jit3A_293 = arith.constant 10000 : i32
        %jit3A_294 = arith.constant 0 : i32
        %broadcast_in_dim3A_295 = vector.broadcast %jit3A_293 : i32 to vector<16xi32>
        %broadcast_in_dim3A_296 = vector.broadcast %jit3A_294 : i32 to vector<16xi32>
        %select_n3A_297 = arith.select %eq3A_233, %broadcast_in_dim3A_295, %broadcast_in_dim3A_296 : vector<16xi1>, vector<16xi32>
        %add3A_298 = arith.addi %gather3A_219, %select_n3A_297 : vector<16xi32>
        %jit3A_299 = arith.constant 10000 : i32
        %jit3A_300 = arith.constant 0 : i32
        %broadcast_in_dim3A_301 = vector.broadcast %jit3A_299 : i32 to vector<16xi32>
        %broadcast_in_dim3A_302 = vector.broadcast %jit3A_300 : i32 to vector<16xi32>
        %select_n3A_303 = arith.select %eq3A_235, %broadcast_in_dim3A_301, %broadcast_in_dim3A_302 : vector<16xi1>, vector<16xi32>
        %add3A_304 = arith.addi %gather3A_220, %select_n3A_303 : vector<16xi32>
        %jit3A_305 = arith.constant 10000 : i32
        %jit3A_306 = arith.constant 0 : i32
        %broadcast_in_dim3A_307 = vector.broadcast %jit3A_305 : i32 to vector<16xi32>
        %broadcast_in_dim3A_308 = vector.broadcast %jit3A_306 : i32 to vector<16xi32>
        %select_n3A_309 = arith.select %eq3A_237, %broadcast_in_dim3A_307, %broadcast_in_dim3A_308 : vector<16xi1>, vector<16xi32>
        %add3A_310 = arith.addi %gather3A_221, %select_n3A_309 : vector<16xi32>
        %jit3A_311 = arith.constant 10000 : i32
        %jit3A_312 = arith.constant 0 : i32
        %broadcast_in_dim3A_313 = vector.broadcast %jit3A_311 : i32 to vector<16xi32>
        %broadcast_in_dim3A_314 = vector.broadcast %jit3A_312 : i32 to vector<16xi32>
        %select_n3A_315 = arith.select %eq3A_239, %broadcast_in_dim3A_313, %broadcast_in_dim3A_314 : vector<16xi1>, vector<16xi32>
        %add3A_316 = arith.addi %gather3A_222, %select_n3A_315 : vector<16xi32>
        %jit3A_317 = arith.constant 10000 : i32
        %jit3A_318 = arith.constant 0 : i32
        %broadcast_in_dim3A_319 = vector.broadcast %jit3A_317 : i32 to vector<16xi32>
        %broadcast_in_dim3A_320 = vector.broadcast %jit3A_318 : i32 to vector<16xi32>
        %select_n3A_321 = arith.select %eq3A_241, %broadcast_in_dim3A_319, %broadcast_in_dim3A_320 : vector<16xi1>, vector<16xi32>
        %add3A_322 = arith.addi %gather3A_223, %select_n3A_321 : vector<16xi32>
        %jit3A_323 = arith.constant 10000 : i32
        %jit3A_324 = arith.constant 0 : i32
        %broadcast_in_dim3A_325 = vector.broadcast %jit3A_323 : i32 to vector<16xi32>
        %broadcast_in_dim3A_326 = vector.broadcast %jit3A_324 : i32 to vector<16xi32>
        %select_n3A_327 = arith.select %eq3A_243, %broadcast_in_dim3A_325, %broadcast_in_dim3A_326 : vector<16xi1>, vector<16xi32>
        %add3A_328 = arith.addi %gather3A_224, %select_n3A_327 : vector<16xi32>
        %jit3A_329 = arith.constant 10000 : i32
        %jit3A_330 = arith.constant 0 : i32
        %broadcast_in_dim3A_331 = vector.broadcast %jit3A_329 : i32 to vector<16xi32>
        %broadcast_in_dim3A_332 = vector.broadcast %jit3A_330 : i32 to vector<16xi32>
        %select_n3A_333 = arith.select %eq3A_245, %broadcast_in_dim3A_331, %broadcast_in_dim3A_332 : vector<16xi1>, vector<16xi32>
        %add3A_334 = arith.addi %gather3A_225, %select_n3A_333 : vector<16xi32>
        %unique3A, %unique3A_335 = tpu.scan_count mask(%or3A : vector<16xi1>) value(%add3A_280 : vector<16xi32>) : vector<16xi1>, vector<16xi32>
        %unique3A_336, %unique3A_337 = tpu.scan_count mask(%or3A_250 : vector<16xi1>) value(%add3A_286 : vector<16xi32>) : vector<16xi1>, vector<16xi32>
        %unique3A_338, %unique3A_339 = tpu.scan_count mask(%or3A_253 : vector<16xi1>) value(%add3A_292 : vector<16xi32>) : vector<16xi1>, vector<16xi32>
        %unique3A_340, %unique3A_341 = tpu.scan_count mask(%or3A_256 : vector<16xi1>) value(%add3A_298 : vector<16xi32>) : vector<16xi1>, vector<16xi32>
        %unique3A_342, %unique3A_343 = tpu.scan_count mask(%or3A_259 : vector<16xi1>) value(%add3A_304 : vector<16xi32>) : vector<16xi1>, vector<16xi32>
        %unique3A_344, %unique3A_345 = tpu.scan_count mask(%or3A_262 : vector<16xi1>) value(%add3A_310 : vector<16xi32>) : vector<16xi1>, vector<16xi32>
        %unique3A_346, %unique3A_347 = tpu.scan_count mask(%or3A_265 : vector<16xi1>) value(%add3A_316 : vector<16xi32>) : vector<16xi1>, vector<16xi32>
        %unique3A_348, %unique3A_349 = tpu.scan_count mask(%or3A_268 : vector<16xi1>) value(%add3A_322 : vector<16xi32>) : vector<16xi1>, vector<16xi32>
        %unique3A_350, %unique3A_351 = tpu.scan_count mask(%or3A_271 : vector<16xi1>) value(%add3A_328 : vector<16xi32>) : vector<16xi1>, vector<16xi32>
        %unique3A_352, %unique3A_353 = tpu.scan_count mask(%or3A_274 : vector<16xi1>) value(%add3A_334 : vector<16xi32>) : vector<16xi1>, vector<16xi32>
        tpu.vector_store_idx %arg12[%get3A_140], %broadcast_in_dim3A_41 : memref<10240xi32, #tpu.memory_space<vmem>>[vector<16xi32>], vector<16xi32>,
        tpu.vector_store_idx %arg12[%get3A_144], %broadcast_in_dim3A_41 : memref<10240xi32, #tpu.memory_space<vmem>>[vector<16xi32>], vector<16xi32>,
        tpu.vector_store_idx %arg12[%get3A_148], %broadcast_in_dim3A_41 : memref<10240xi32, #tpu.memory_space<vmem>>[vector<16xi32>], vector<16xi32>,
        tpu.vector_store_idx %arg12[%get3A_152], %broadcast_in_dim3A_41 : memref<10240xi32, #tpu.memory_space<vmem>>[vector<16xi32>], vector<16xi32>,
        tpu.vector_store_idx %arg12[%get3A_156], %broadcast_in_dim3A_41 : memref<10240xi32, #tpu.memory_space<vmem>>[vector<16xi32>], vector<16xi32>,
        tpu.vector_store_idx %arg12[%get3A_160], %broadcast_in_dim3A_41 : memref<10240xi32, #tpu.memory_space<vmem>>[vector<16xi32>], vector<16xi32>,
        tpu.vector_store_idx %arg12[%get3A_164], %broadcast_in_dim3A_41 : memref<10240xi32, #tpu.memory_space<vmem>>[vector<16xi32>], vector<16xi32>,
        tpu.vector_store_idx %arg12[%get3A_168], %broadcast_in_dim3A_41 : memref<10240xi32, #tpu.memory_space<vmem>>[vector<16xi32>], vector<16xi32>,
        tpu.vector_store_idx %arg12[%get3A_172], %broadcast_in_dim3A_41 : memref<10240xi32, #tpu.memory_space<vmem>>[vector<16xi32>], vector<16xi32>,
        tpu.vector_store_idx %arg12[%get3A_176], %broadcast_in_dim3A_41 : memref<10240xi32, #tpu.memory_space<vmem>>[vector<16xi32>], vector<16xi32>,
        %convert_element_type3A_354 = arith.sitofp %unique3A_335 : vector<16xi32> to vector<16xf32>
        tpu.vector_store_idx %arg6[%add3A_280], %convert_element_type3A_354 masked %unique3A {add = true} : memref<20000xf32, #tpu.memory_space<vmem>>[vector<16xi32>], vector<16xf32>, vector<16xi1>
        %convert_element_type3A_355 = arith.sitofp %unique3A_337 : vector<16xi32> to vector<16xf32>
        tpu.vector_store_idx %arg6[%add3A_286], %convert_element_type3A_355 masked %unique3A_336 {add = true} : memref<20000xf32, #tpu.memory_space<vmem>>[vector<16xi32>], vector<16xf32>, vector<16xi1>
        %convert_element_type3A_356 = arith.sitofp %unique3A_339 : vector<16xi32> to vector<16xf32>
        tpu.vector_store_idx %arg6[%add3A_292], %convert_element_type3A_356 masked %unique3A_338 {add = true} : memref<20000xf32, #tpu.memory_space<vmem>>[vector<16xi32>], vector<16xf32>, vector<16xi1>
        %convert_element_type3A_357 = arith.sitofp %unique3A_341 : vector<16xi32> to vector<16xf32>
        tpu.vector_store_idx %arg6[%add3A_298], %convert_element_type3A_357 masked %unique3A_340 {add = true} : memref<20000xf32, #tpu.memory_space<vmem>>[vector<16xi32>], vector<16xf32>, vector<16xi1>
        %convert_element_type3A_358 = arith.sitofp %unique3A_343 : vector<16xi32> to vector<16xf32>
        tpu.vector_store_idx %arg6[%add3A_304], %convert_element_type3A_358 masked %unique3A_342 {add = true} : memref<20000xf32, #tpu.memory_space<vmem>>[vector<16xi32>], vector<16xf32>, vector<16xi1>
        %convert_element_type3A_359 = arith.sitofp %unique3A_345 : vector<16xi32> to vector<16xf32>
        tpu.vector_store_idx %arg6[%add3A_310], %convert_element_type3A_359 masked %unique3A_344 {add = true} : memref<20000xf32, #tpu.memory_space<vmem>>[vector<16xi32>], vector<16xf32>, vector<16xi1>
        %convert_element_type3A_360 = arith.sitofp %unique3A_347 : vector<16xi32> to vector<16xf32>
        tpu.vector_store_idx %arg6[%add3A_316], %convert_element_type3A_360 masked %unique3A_346 {add = true} : memref<20000xf32, #tpu.memory_space<vmem>>[vector<16xi32>], vector<16xf32>, vector<16xi1>
        %convert_element_type3A_361 = arith.sitofp %unique3A_349 : vector<16xi32> to vector<16xf32>
        tpu.vector_store_idx %arg6[%add3A_322], %convert_element_type3A_361 masked %unique3A_348 {add = true} : memref<20000xf32, #tpu.memory_space<vmem>>[vector<16xi32>], vector<16xf32>, vector<16xi1>
        %convert_element_type3A_362 = arith.sitofp %unique3A_351 : vector<16xi32> to vector<16xf32>
        tpu.vector_store_idx %arg6[%add3A_328], %convert_element_type3A_362 masked %unique3A_350 {add = true} : memref<20000xf32, #tpu.memory_space<vmem>>[vector<16xi32>], vector<16xf32>, vector<16xi1>
        %convert_element_type3A_363 = arith.sitofp %unique3A_353 : vector<16xi32> to vector<16xf32>
        tpu.vector_store_idx %arg6[%add3A_334], %convert_element_type3A_363 masked %unique3A_352 {add = true} : memref<20000xf32, #tpu.memory_space<vmem>>[vector<16xi32>], vector<16xf32>, vector<16xi1>
        %scan3A_364 = arith.constant 0 : i32
        scf.yield %scan3A_364 : i32
      }
      %scan3A_125 = arith.constant 100 : i32
      %add3A_126 = arith.constant 3 : i32
      %add3A_127 = arith.addi %mul3A_91, %add3A_126 : i32
      %lt3A_128 = arith.constant 20 : i32
      %lt3A_129 = arith.cmpi slt, %add3A_127, %lt3A_128 : i32
      %convert_element_type3A_130 = arith.extui %lt3A_129 : i1 to i32
      %cond3A_131 = arith.constant 0 : i32
      %cond3A_132 = arith.cmpi ne, %convert_element_type3A_130, %cond3A_131 : i32
      scf.if %cond3A_132 {
        %add3A_134 = arith.constant 3 : i32
        %add3A_135 = arith.addi %mul3A_91, %add3A_134 : i32
        %mul3A_136 = arith.constant 16000 : i32
        %mul3A_137 = arith.muli %add3A_135, %mul3A_136 : i32
        %dma_start3A_138 = tpu.memref_slice %arg2[%mul3A_137] : memref<320000xi32, #tpu.memory_space<hbm>> -> memref<16000xi32, #tpu.memory_space<hbm>>
        %dma_start3A_139 = tpu.memref_slice %arg2[%mul3A_137] : memref<320000xi32, #tpu.memory_space<hbm>> -> memref<16000xi32, #tpu.memory_space<hbm>>
        tpu.enqueue_dma source(%dma_start3A_139 : memref<16000xi32, #tpu.memory_space<hbm>>) target(%arg9 : memref<16000xi32, #tpu.memory_space<vmem>>) target_semaphore(%arg14 : memref<!tpu.dma_semaphore, #tpu.memory_space<semaphore_mem>>)
        %add3A_140 = arith.addi %mul3A_36, %mul3A_137 : i32
        %dma_start3A_141 = tpu.memref_slice %arg3[%add3A_140] : memref<1280000xi32, #tpu.memory_space<hbm>> -> memref<16000xi32, #tpu.memory_space<hbm>>
        %dma_start3A_142 = tpu.memref_slice %arg3[%add3A_140] : memref<1280000xi32, #tpu.memory_space<hbm>> -> memref<16000xi32, #tpu.memory_space<hbm>>
        tpu.enqueue_dma source(%dma_start3A_142 : memref<16000xi32, #tpu.memory_space<hbm>>) target(%arg11 : memref<16000xi32, #tpu.memory_space<vmem>>) target_semaphore(%arg14 : memref<!tpu.dma_semaphore, #tpu.memory_space<semaphore_mem>>)
      } else {
      }
      %scan3A_133 = arith.constant 0 : i32
      scf.yield %scan3A_133 : i32
    }
    %scan3A_76 = arith.constant 10 : i32
    %scan3A_77 = arith.constant 0 : i32
    %scan3A_78 = arith.constant 0 : i32
    %scan3A_79 = arith.constant 625 : i32
    %scan3A_80 = arith.addi %scan3A_78, %scan3A_79 : i32
    %scan3A_81 = arith.constant 1 : i32
    %scan3A_82 = scf.for %scan3A_88 = %scan3A_78 to %scan3A_80 step %scan3A_81 iter_args(%scan3A_89 = %scan3A_77) -> (i32)  : i32 {
      %mul3A_90 = arith.constant 16 : i32
      %mul3A_91 = arith.muli %scan3A_88, %mul3A_90 : i32
      %get3A = arith.index_cast %mul3A_91 : i32 to index
      %get3A_92 = tpu.vector_load %arg12[%get3A] {strides = array<i32>} : memref<10240xi32, #tpu.memory_space<vmem>>, vector<16xi32>,
      %broadcast_in_dim3A_93 = arith.constant true
      %broadcast_in_dim3A_94 = vector.broadcast %broadcast_in_dim3A_93 : i1 to vector<16xi1>
      %masked_cumsum3A = tpu.scan <sum>, %get3A_92 masked %broadcast_in_dim3A_94 : vector<16xi32>, vector<16xi1> -> vector<16xi32>
      %sub3A_95 = arith.subi %masked_cumsum3A, %get3A_92 : vector<16xi32>
      %add3A_96 = vector.broadcast %scan3A_89 : i32 to vector<16xi32>
      %add3A_97 = arith.addi %sub3A_95, %add3A_96 : vector<16xi32>
      %eq3A_98 = arith.constant 1 : i32
      %eq3A_99 = vector.broadcast %eq3A_98 : i32 to vector<16xi32>
      %eq3A_100 = arith.cmpi eq, %get3A_92, %eq3A_99 : vector<16xi32>
      %mul3A_101 = arith.constant 16 : i32
      %mul3A_102 = arith.muli %scan3A_88, %mul3A_101 : i32
      %get3A_103 = arith.index_cast %mul3A_102 : i32 to index
      %get3A_104 = tpu.vector_load %arg6[%get3A_103] {strides = array<i32>} : memref<20000xf32, #tpu.memory_space<vmem>>, vector<16xf32>,
      %mul3A_105 = arith.constant 16 : i32
      %mul3A_106 = arith.muli %scan3A_88, %mul3A_105 : i32
      %add3A_107 = arith.constant 10000 : i32
      %add3A_108 = arith.addi %add3A_107, %mul3A_106 : i32
      %get3A_109 = arith.index_cast %add3A_108 : i32 to index
      %get3A_110 = tpu.vector_load %arg6[%get3A_109] {strides = array<i32>} : memref<20000xf32, #tpu.memory_space<vmem>>, vector<16xf32>,
      tpu.vector_store_idx %arg7[%add3A_97], %get3A_104 masked %eq3A_100 : memref<20000xf32, #tpu.memory_space<vmem>>[vector<16xi32>], vector<16xf32>, vector<16xi1>
      %add3A_111 = arith.constant 10000 : i32
      %add3A_112 = vector.broadcast %add3A_111 : i32 to vector<16xi32>
      %add3A_113 = arith.addi %add3A_97, %add3A_112 : vector<16xi32>
      tpu.vector_store_idx %arg7[%add3A_113], %get3A_110 masked %eq3A_100 : memref<20000xf32, #tpu.memory_space<vmem>>[vector<16xi32>], vector<16xf32>, vector<16xi1>
      %reduce_sum3A = arith.constant true
      %reduce_sum3A_114 = vector.broadcast %reduce_sum3A : i1 to vector<16xi1>
      %reduce_sum3A_115 = tpu.scan <sum>, %get3A_92 masked %reduce_sum3A_114 : vector<16xi32>, vector<16xi1> -> vector<16xi32>
      %reduce_sum3A_116 = vector.extract %reduce_sum3A_115[15] : i32 from vector<16xi32>
      %add3A_117 = arith.addi %scan3A_89, %reduce_sum3A_116 : i32
      scf.yield %add3A_117 : i32
    }
    %scan3A_83 = arith.constant 625 : i32
    %mul3A_84 = arith.constant 2 : i32
    %mul3A_85 = arith.muli %add3A, %mul3A_84 : i32
    %mul3A_86 = arith.constant 10000 : i32
    %mul3A_87 = arith.muli %mul3A_85, %mul3A_86 : i32
    "tpu.region"() ({
      %run_scoped3A = tpu.sem_alloc : memref<!tpu.dma_semaphore, #tpu.memory_space<semaphore_mem>>
      %dma_start3A_88 = tpu.memref_slice %arg4[%mul3A_87] : memref<640000xf32, #tpu.memory_space<hbm>> -> memref<20000xf32, #tpu.memory_space<hbm>>
      %dma_start3A_89 = tpu.memref_slice %arg4[%mul3A_87] : memref<640000xf32, #tpu.memory_space<hbm>> -> memref<20000xf32, #tpu.memory_space<hbm>>
      tpu.enqueue_dma source(%arg7 : memref<20000xf32, #tpu.memory_space<vmem>>) target(%dma_start3A_89 : memref<20000xf32, #tpu.memory_space<hbm>>) target_semaphore(%run_scoped3A : memref<!tpu.dma_semaphore, #tpu.memory_space<semaphore_mem>>)
      %dma_wait3A = tpu.memref_slice %arg4[%mul3A_87] : memref<640000xf32, #tpu.memory_space<hbm>> -> memref<20000xf32, #tpu.memory_space<hbm>>
      %dma_wait3A_90 = tpu.memref_slice %arg4[%mul3A_87] : memref<640000xf32, #tpu.memory_space<hbm>> -> memref<20000xf32, #tpu.memory_space<hbm>>
      tpu.wait_dma2 semaphore(%run_scoped3A : memref<!tpu.dma_semaphore, #tpu.memory_space<semaphore_mem>>) src(%arg7 : memref<20000xf32, #tpu.memory_space<vmem>>) dst(%dma_wait3A_90 : memref<20000xf32, #tpu.memory_space<hbm>>)
      tpu.yield
    }) : () -> ()
    return
  }
}

module attributes {stable_mosaic.version = 14 : i64} {
  func.func @body(%arg0: memref<10000x128xf32, #tpu.memory_space<vmem>>, %arg1: memref<128x128xf32, #tpu.memory_space<vmem>>, %arg2: memref<1x128xf32, #tpu.memory_space<vmem>>, %arg3: memref<64x10000xf32, #tpu.memory_space<vmem>>, %arg4: memref<128x64xf32, #tpu.memory_space<vmem>>, %arg5: memref<64x64xf32, #tpu.memory_space<vmem>>, %arg6: memref<1x64xf32, #tpu.memory_space<vmem>>, %arg7: memref<10000x64xf32, #tpu.memory_space<vmem>>) attributes {dimension_semantics = [], scalar_prefetch = 0 : i64, scratch_operands = 0 : i64, tpu.core_type = #tpu.core_type<tc>} {
    %get3A = arith.constant 0 : index
    %get3A_0 = arith.constant 0 : index
    %get3A_1 = vector.load %arg0[%get3A, %get3A_0] : memref<10000x128xf32, #tpu.memory_space<vmem>>, vector<10000x128xf32>
    %get3A_2 = arith.constant 0 : index
    %get3A_3 = arith.constant 0 : index
    %get3A_4 = vector.load %arg1[%get3A_2, %get3A_3] : memref<128x128xf32, #tpu.memory_space<vmem>>, vector<128x128xf32>
    %dot_general3A = arith.constant dense<0.000000e+00> : vector<10000x128xf32>
    %dot_general3A_5 = tpu.matmul %get3A_1, %get3A_4, %dot_general3A {dimension_numbers = #tpu.dot_dimension_numbers<[1], [0], [0], [1], [0, 0, 1, 1], [], []>, transpose_lhs_hint = false} : vector<10000x128xf32>, vector<128x128xf32>, vector<10000x128xf32> -> vector<10000x128xf32>
    %get3A_6 = arith.constant 0 : index
    %get3A_7 = arith.constant 0 : index
    %get3A_8 = vector.load %arg2[%get3A_6, %get3A_7] : memref<1x128xf32, #tpu.memory_space<vmem>>, vector<1x128xf32>
    %add3A = vector.broadcast %get3A_8 : vector<1x128xf32> to vector<10000x128xf32>
    %add3A_9 = arith.addf %dot_general3A_5, %add3A : vector<10000x128xf32>
    %max3A = arith.constant 0.000000e+00 : f32
    %max3A_10 = vector.broadcast %max3A : f32 to vector<10000x128xf32>
    %max3A_11 = arith.maximumf %add3A_9, %max3A_10 : vector<10000x128xf32>
    %get3A_12 = arith.constant 0 : index
    %get3A_13 = arith.constant 0 : index
    %get3A_14 = vector.load %arg3[%get3A_12, %get3A_13] : memref<64x10000xf32, #tpu.memory_space<vmem>>, vector<64x10000xf32>
    %get3A_15 = arith.constant 0 : index
    %get3A_16 = arith.constant 0 : index
    %get3A_17 = vector.load %arg5[%get3A_15, %get3A_16] : memref<64x64xf32, #tpu.memory_space<vmem>>, vector<64x64xf32>
    %dot_general3A_18 = arith.constant dense<0.000000e+00> : vector<10000x64xf32>
    %dot_general3A_19 = tpu.matmul %get3A_14, %get3A_17, %dot_general3A_18 {dimension_numbers = #tpu.dot_dimension_numbers<[0], [0], [1], [1], [0, 1, 1, 1], [], []>, transpose_lhs_hint = false} : vector<64x10000xf32>, vector<64x64xf32>, vector<10000x64xf32> -> vector<10000x64xf32>
    %get3A_20 = arith.constant 0 : index
    %get3A_21 = arith.constant 0 : index
    %get3A_22 = vector.load %arg4[%get3A_20, %get3A_21] : memref<128x64xf32, #tpu.memory_space<vmem>>, vector<128x64xf32>
    %dot_general3A_23 = arith.constant dense<0.000000e+00> : vector<10000x64xf32>
    %dot_general3A_24 = tpu.matmul %max3A_11, %get3A_22, %dot_general3A_23 {dimension_numbers = #tpu.dot_dimension_numbers<[1], [0], [0], [1], [0, 0, 1, 1], [], []>, transpose_lhs_hint = false} : vector<10000x128xf32>, vector<128x64xf32>, vector<10000x64xf32> -> vector<10000x64xf32>
    %add3A_25 = arith.addf %dot_general3A_24, %dot_general3A_19 : vector<10000x64xf32>
    %get3A_26 = arith.constant 0 : index
    %get3A_27 = arith.constant 0 : index
    %get3A_28 = vector.load %arg6[%get3A_26, %get3A_27] : memref<1x64xf32, #tpu.memory_space<vmem>>, vector<1x64xf32>
    %add3A_29 = vector.broadcast %get3A_28 : vector<1x64xf32> to vector<10000x64xf32>
    %add3A_30 = arith.addf %add3A_25, %add3A_29 : vector<10000x64xf32>
    %swap3A = arith.constant 0 : index
    %swap3A_31 = arith.constant 0 : index
    %swap3A_32 = vector.load %arg7[%swap3A, %swap3A_31] : memref<10000x64xf32, #tpu.memory_space<vmem>>, vector<10000x64xf32>
    tpu.vector_store %arg7[%swap3A, %swap3A_31], %add3A_30 {strides = array<i32>} : memref<10000x64xf32, #tpu.memory_space<vmem>>, vector<10000x64xf32>,
    return
  }
}

</mosaic_0001>

<sc_bundles>
// kernel: kernel.4.cloned.1.call-start
scs
__scs_entry_jumppad:
0x0: {  	(pc) =	sbr.rel $0x88, $3  }
0x1: {  	(tag) =	ssettag $0x0;
	lr =	simm.s32 $0x1  }
0x2: {  	[smem:$0x3F9A] =	sst lr;
	_ =	strace $0xD0000000  }
0x3: {  	_ = 	snop  }
0x4: {  	_ = 	snop  }
0x5: {  	_ = 	snop  }
0x6: {  	_ = 	snop  }
0x7: {  	_ = 	snop  }
__scs_overlays_trampoline_lowered:
0x8: {  	[smem:$0x3FA9] =	sst s0  }
0x9: {  	[smem:$0x3FAA] =	sst s1  }
0xa: {  	[smem:$0x3FAB] =	sst s2  }
0xb: {  	[smem:$0x3FAC] =	sst s3  }
0xc: {  	[smem:$0x3FAD] =	sst s4  }
0xd: {  	[smem:$0x3FAE] =	sst s5  }
0xe: {  	[smem:$0x3FAF] =	sst s6  }
0xf: {  	[smem:$0x3FB0] =	sst s7  }
0x10: {  	[smem:$0x3FB1] =	sst s8  }
0x11: {  	[smem:$0x3FB2] =	sst s9;
	s0 =	simm.s32 @!p0 $0x0  }
0x12: {  	s1 =	sld [smem:$0x3F98];
	s0 =	simm.s32 @p0 $0x1  }
0x13: {  	[smem:$0x3FB3] =	sst s0;
	s0 =	simm.s32 @!p1 $0x0  }
0x14: {  	s2 =	sld [smem:$0x3F97];
	s0 =	simm.s32 @p1 $0x1  }
0x15: {  	[smem:$0x3FB4] =	sst s0;
	s0 =	simm.s32 @!p2 $0x0  }
0x16: {  	s3 =	sld [smem:$0x3FDB];
	s0 =	simm.s32 @p2 $0x1  }
0x17: {  	s4 =	simm.s32 $0x1BF5;
	[smem:$0x3FB6] =	sst s0  }
0x18: {  	s0 =	sld [smem:$0x3F99];
	_ =	swait.ge [sflag:s4], $0x0  }
0x19: {  	s7 =	sld [smem:$0x3F9A]  }
0x1a: {  	s8 =	sadd.s32 $0xFFFFE003, lr  }
0x1b: {  	s9 =	sadd.s32 $0xFFFFFEF7, lr;
	s5 =	simm.s32 $0xFFFFFFFF;
	p2 =	slt.u32 s8, $0xFFFFF086  }
0x1c: {  	p1 =	slt.u32 s9, $0xF7A;
	s5 =	simm.s32 @!p2 $0x0  }
0x1d: {  	s5 =	simm.s32 @p1 $0x1;
	p0 =	seq.s32 s7, s2  }
0x1e: {  	s7 =	smul.u32 @!p0 $0xF7A, s2;
	p2 =	seq.s32 @!p0 s5, $0x0  }
0x1f: {  	s9 =	smul.u32 $0xF7A, s1;
	s8 =	simm.s32 @!p0 $0x1BF5;
	p2 =	por !p2, p0  }
0x20: {  	[sflag:s8] =	ssyncset.s32 @!p0 $0xFFFFF086;
	s6 =	sadd.s32 @!p0 s3, s7;
	s7 =	simm.s32 @!p0 $0x108  }
0x21: {  	s3 =	sadd.s32 s3, s9;
	s6 =	sadd.s32 @!p0 $0x88, s6;
	s7 =	simm.s32 @p2 $0x1082  }
0x22: {  	[simem:s7], [sflag:s8] =	dma.local @!p0 [hbm:s6], $0xF7A  }
0x23: {  	s9 =	sor.u32 $0xD0000000, s2;
	s6 =	simm.s32 $0x108;
	_ =	swait.ge @!p0 [sflag:s8], $0x0  }
0x24: {  	s3 =	sadd.s32 $0x88, s3;
	s6 =	simm.s32 @!p1 $0x1082;
	[sflag:s4] =	ssyncset.s32 $0xFFFFF086  }
0x25: {  	[simem:s6], [sflag:s4] =	dma.local [hbm:s3], $0xF7A  }
0x26: {  	[smem:$0x3F9A] =	sst s1;
	(tag) =	ssettag s2;
	_ =	strace s9  }
0x27: {  	s1 =	sld [smem:$0x3FAA]  }
0x28: {  	s2 =	sld [smem:$0x3FAB]  }
0x29: {  	s4 =	sld [smem:$0x3FAD]  }
0x2a: {  	p0 =	seq.s32 s5, $0x0;
	s5 =	sld [smem:$0x3FAE]  }
0x2b: {  	s6 =	sld [smem:$0x3FAF]  }
0x2c: {  	s7 =	sld [smem:$0x3FB0]  }
0x2d: {  	s3 =	simm.s32 $0x108;
	s8 =	sld [smem:$0x3FB1]  }
0x2e: {  	s3 =	simm.s32 @!p0 $0x1082;
	s9 =	sld [smem:$0x3FB2]  }
0x2f: {  	lr =	sadd.s32 s0, s3;
	s0 =	sld [smem:$0x3FA9]  }
0x30: {  	s3 =	sld [smem:$0x3FAC]  }
0x31: {  	[smem:$0x3FB5] =	sst s10  }
0x32: {  	s10 =	sld [smem:$0x3FB3];
	_ =	sdelay $0x3  }
0x33: {  	p0 =	seq.s32 s10, $0x1;
	s10 =	sld [smem:$0x3FB5];
	_ =	sdelay $0x3  }
0x34: {  	[smem:$0x3FB5] =	sst s10  }
0x35: {  	s10 =	sld [smem:$0x3FB4];
	_ =	sdelay $0x3  }
0x36: {  	p1 =	seq.s32 s10, $0x1;
	s10 =	sld [smem:$0x3FB5];
	_ =	sdelay $0x3  }
0x37: {  	[smem:$0x3FB5] =	sst s10  }
0x38: {  	s10 =	sld [smem:$0x3FB6]  }
0x39: {  	_ = 	snop;
	(pc) =	sbr.ind lr, $3  }
0x3a: {  	_ = 	snop  }
0x3b: {  	_ = 	snop  }
0x3c: {  	p2 =	seq.s32 s10, $0x1;
	s10 =	sld [smem:$0x3FB5]  }
0x3d: {  	_ =	shalt  }
0x3e: {  	_ =	shalt  }
0x3f: {  	_ =	shalt  }
0x40: {  	_ =	shalt  }
0x41: {  	_ =	shalt  }
0x42: {  	_ =	shalt  }
0x43: {  	_ =	shalt  }
0x44: {  	_ =	shalt  }
0x45: {  	_ =	shalt  }
0x46: {  	_ =	shalt  }
0x47: {  	_ =	shalt  }
0x48: {  	_ =	shalt  }
0x49: {  	_ =	shalt  }
0x4a: {  	_ =	shalt  }
0x4b: {  	_ =	shalt  }
0x4c: {  	_ =	shalt  }
0x4d: {  	_ =	shalt  }
0x4e: {  	_ =	shalt  }
0x4f: {  	_ =	shalt  }
0x50: {  	_ =	shalt  }
0x51: {  	_ =	shalt  }
0x52: {  	_ =	shalt  }
0x53: {  	_ =	shalt  }
0x54: {  	_ =	shalt  }
0x55: {  	_ =	shalt  }
0x56: {  	_ =	shalt  }
0x57: {  	_ =	shalt  }
0x58: {  	_ =	shalt  }
0x59: {  	_ =	shalt  }
0x5a: {  	_ =	shalt  }
0x5b: {  	_ =	shalt  }
0x5c: {  	_ =	shalt  }
0x5d: {  	_ =	shalt  }
0x5e: {  	_ =	shalt  }
0x5f: {  	_ =	shalt  }
0x60: {  	_ =	shalt  }
0x61: {  	_ =	shalt  }
0x62: {  	_ =	shalt  }
0x63: {  	_ =	shalt  }
0x64: {  	_ =	shalt  }
0x65: {  	_ =	shalt  }
0x66: {  	_ =	shalt  }
0x67: {  	_ =	shalt  }
0x68: {  	_ =	shalt  }
0x69: {  	_ =	shalt  }
0x6a: {  	_ =	shalt  }
0x6b: {  	_ =	shalt  }
0x6c: {  	_ =	shalt  }
0x6d: {  	_ =	shalt  }
0x6e: {  	_ =	shalt  }
0x6f: {  	_ =	shalt  }
0x70: {  	_ =	shalt  }
0x71: {  	_ =	shalt  }
0x72: {  	_ =	shalt  }
0x73: {  	_ =	shalt  }
0x74: {  	_ =	shalt  }
0x75: {  	_ =	shalt  }
0x76: {  	_ =	shalt  }
0x77: {  	_ =	shalt  }
0x78: {  	_ =	shalt  }
0x79: {  	_ =	shalt  }
0x7a: {  	_ =	shalt  }
0x7b: {  	_ =	shalt  }
0x7c: {  	_ =	shalt  }
0x7d: {  	_ =	shalt  }
0x7e: {  	_ =	shalt  }
0x7f: {  	_ =	shalt  }
0x80: {  	_ =	shalt  }
0x81: {  	_ =	shalt  }
0x82: {  	_ =	shalt  }
0x83: {  	_ =	shalt  }
0x84: {  	_ =	shalt  }
0x85: {  	_ =	shalt  }
0x86: {  	_ =	shalt  }
0x87: {  	_ =	shalt  }
.Lfunc_end0:
.L_simem_size_0:
called_computation_lowered:
.L_overlay_start_0:
0x88: {  	s2 =	sld [smem:$0x3FD9]  }
0x89: {  	s3 =	sld [smem:$0x3FFE];
	_ =	sdelay $0x1  }
0x8a: {  	s1 =	srdreg.scid  }
0x8b: {  	s0 =	sand.u32 $0x1, s1  }
0x8c: {  	s17 =	sshll.u32 s0, $0xA;
	s2 =	sadd.s32 s3, s2  }
0x8d: {  	s2 =	sadd.s32 s2, s17  }
0x8e: {  	[smem:$0x3FC1] =	sst s2  }
0x8f: {  	_ = 	snop  }
0x90: {  	s2 =	sld [smem:$0x3FD0];
	(tm) =	ssettm $0x1  }
0x91: {  	s18 =	sld [smem:$0x3FFB];
	_ =	sdelay $0x3  }
0x92: {  	_ =	strace s18  }
0x93: {  	s3 =	sld [smem:$0x3FFC];
	_ =	sdelay $0x3  }
0x94: {  	_ =	strace s3  }
0x95: {  	s3 =	sld [smem:$0x3FFD];
	_ =	sdelay $0x3  }
0x96: {  	_ =	strace s3  }
0x97: {  	_ =	strace $0x8FFFFFFF  }
0x98: {  	s19 =	sld [smem:$0x3FDB];
	_ =	sdelay $0x1  }
0x99: {  	s4 =	simm.s32 $_scs_section_size  }
0x9a: {  	s5 =	simm.s32 $_size__tile_overlayer_lowered;
	s6 =	simm.s32 $_tile_overlayer_lowered  }
0x9b: {  	s22 =	simm.s32 $0x1BFF;
	s21 =	sshll.u32 s6, $0x1;
	s3 =	sadd.s32 s4, s19  }
0x9c: {  	s7 =	simm.s32 $0x0;
	s20 =	sshll.u32 s5, $0x1;
	s5 =	sadd.s32 s21, s3  }
0x9d: {  	[timem:s7], [sflag:s22] =	dma.local [hbm:s5], s20  }
0x9e: {  	_ =	swait.ge [sflag:s22], s20  }
0x9f: {  	s4 =	ssub.s32 $0x0, s20;
	[sflag:s22] =	ssyncset.done $0x0  }
0xa0: {  	[sflag:s22] =	ssyncadd.s32 s4;
	_ =	sdelay $0x1  }
0xa1: {  	s23 =	simm.s32 $0x1B8B  }
0xa2: {  	_ =	swait.ge [sflag:s23], $0x1  }
0xa3: {  	[sflag:s23] =	ssyncset.done $0x0  }
0xa4: {  	s25 =	simm.s32 $0x1B8E;
	s24 =	sld [smem:$0x3FFE];
	[sflag:s23] =	ssyncadd.s32 $0xFFFFFFFF  }
0xa5: {  	s26 =	simm.s32 $execute0_lowered;
	[smem:$0x3FD2] =	sst s25  }
0xa6: {  	s5 =	sshll.u32 s26, $0x1;
	_ =	strace $0x80000046;
	[dreg:$0x1] =	wrdreg $0xFFFFFFFF  }
0xa7: {  	s28 =	simm.s32 $_size_execute0_lowered;
	s3 =	sadd.s32 s3, s5;
	[dreg:$0x0] =	wrdreg $0x0  }
0xa8: {  	s5 =	sshll.u32 s28, $0x1;
	[dreg:$0x2] =	wrdreg s3  }
0xa9: {  	[dreg:$0x3] =	wrdreg s5  }
0xaa: {  	[dreg:$0x4] =	wrdreg $0xC0  }
0xab: {  	_ =	task [dreg:s7], $0x5FFFF  }
0xac: {  	[dreg:$0x1] =	wrdreg $0xFFFFFFFF  }
0xad: {  	[dreg:$0x0] =	wrdreg $0x60  }
0xae: {  	[dreg:$0x2] =	wrdreg s24  }
0xaf: {  	[dreg:$0x3] =	wrdreg s2  }
0xb0: {  	[dreg:$0x4] =	wrdreg $0x9  }
0xb1: {  	_ =	task.clear_ibuf [dreg:s7], $0x5FFFF;
	_ =	strace $0x90000046  }
0xb2: {  	s29 =	simm.s32 $0x9;
	_ =	strace $0x80000048  }
0xb3: {  	_ =	swait.ge [sflag:s29], $0x1  }
0xb4: {  	[sflag:s29] =	ssyncadd.s32 $0xFFFFFFFF  }
0xb5: {  	_ =	strace $0x90000048  }
0xb6: {  	_ =	sfence  }
0xb7: {  	s30 =	sld [smem:$0x0];
	_ =	sdelay $0x2  }
0xb8: {  	s31 =	sshll.u32 s1, $0xD;
	s1 =	sshrl.u32 s1, $0x2  }
0xb9: {  	s3 =	sand.u32 $0x4000, s31;
	s1 =	sadd.s32 s1, s30  }
0xba: {  	s0 =	sor.u32 s3, s0;
	s1 =	sshll.u32 s1, $0x11  }
0xbb: {  	s0 =	sor.u32 s1, s0  }
0xbc: {  	s0 =	sadd.s32 $0x8F2B, s0  }
0xbd: {  	[sflag:s0] =	ssyncadd.remote.s32 $0x1  }
0xbe: {  	_ =	sfence.sel $0xFFFF  }
0xbf: {  	[dreg:$0x0] =	wrdreg $0xFFFFFFFF;
	(pc) =	sbr.abs _section_cstart, $3  }
0xc0: {  	[dreg:$0x1] =	wrdreg $0xFFFFFFFF  }
0xc1: {  	_ =	task.clear_ibuf [dreg:s7], $0x2FFFF;
	_ =	strace $0x9FFFFFFF  }
0xc2: {  	(tm) =	ssettm $0x7FFFFFFF  }
0xc3: {  	_ =	shalt  }
tec
execute0_lowered:
.L_overlay_start_1:
0x0: {  	(tag) =	ssettag $0x1  }
0x1: {  	s7 =	rddreg [dreg:$0x0]  }
0x2: {  	s9 =	rddreg [dreg:$0x1]  }
0x3: {  	s0 =	rddreg [dreg:$0x2]  }
0x4: {  	s1 =	simm.s32 $0x0;
	s4 =	srdreg.scid;
	s2 =	stileid.u32  }
0x5: {  	s13 =	simm.s32 $0x10300;
	s14 =	simm.s32 $0x18000;
	s15 =	simm.s32 $0x3  }
0x6: {  	s18 =	simm.s32 $0x2780;
	s19 =	simm.s32 $0x2;
	s20 =	simm.s32 $0x7600  }
0x7: {  	s21 =	simm.s32 $0x0;
	[smem:$0x7FF] =	sst s1;
	s3 =	sadd.s32 $0x28A00, s7  }
0x8: {  	s4 =	sand.u32 $0x1, s4;
	s5 =	sshll.u32 s2, $0x1;
	s6 =	sshrl.u32 s2, $0x2  }
0x9: {  	_ =	strace $0x80000047;
	s8 =	ssub.s32 $0x2, s4;
	s10 =	sor.u32 s4, s5  }
0xa: {  	s4 =	smul.u32 $0x4E200, s6;
	s5 =	sadd.s32 $0x1800, s7;
	s7 =	sadd.s32 $0x291D0, s7  }
0xb: {  	s30 =	sshrl.u32 s8, $0x1;
	s11 =	sshll.u32 s10, $0x1;
	s10 =	smul.u32 $0x9C4, s10  }
0xc: {  	s16 =	sand.u32 $0xE, s11;
	s31 =	sshrl.u32 s4, $0x3;
	s12 =	ssub.s32 s8, s30  }
0xd: {  	s11 =	simm.s32 $0xC480;
	s17 =	sor.u32 $0x1, s16;
	s6 =	sadd.s32 s5, s31  }
0xe: {  	v2 =	vimm.f32 $0.0e+00;
	v3 =	vimm.s32 $0x0;
	s9 =	sadd.s32 s9, s10;
	s10 =	smax.u32 s12, $0x1;
	s12 =	simm.s32 $0x14180  }
0xf: {  	v4 =	vimm.s32 $0x1;
	v1 =	vmov s16;
	s16 =	simm.s32 $0x1;
	s8 =	sadd.s32 $0x7D0, s6;
	v0 =	vmov s17;
	s17 =	simm.s32 $0x1BE80  }
.LBB2_1:
0x10: {  	[tilespmem:s11], [sflag:$0x1] =	stream.linear.gather [hbm4b:s3+s1], $0x3E80, $0x38;
	[tilespmem:$0x1E680] =	vst v63  }
0x11: {  	_ = 	snop  }
0x12: {  	[tilespmem:s12], [sflag:$0x1] =	stream.linear.gather [hbm4b:s6+s1], $0x3E80, $0x38;
	[tilespmem:$0x1E680] =	vst v63  }
0x13: {  	_ = 	snop  }
0x14: {  	[tilespmem:s13], [sflag:$0x2] =	stream.linear.gather [hbm4b:s7+s1], $0x3E80, $0x38;
	[tilespmem:$0x1E680] =	vst v63  }
0x15: {  	s22 =	simm.s32 $0x0  }
0x16: {  	[tilespmem:s14], [sflag:$0x2] =	stream.linear.gather [hbm4b:s8+s1], $0x3E80, $0x38;
	[tilespmem:$0x1E680] =	vst v63  }
.LBB2_2:
0x17: {  	p0 =	sne.s32 s22, $0x13840  }
.Ltmp0:
0x18: {  	_ = 	snop;
	(pc) =	sbr.rel @p0 .LBB2_2-.Ltmp0, $4  }
0x19: {  	_ = 	snop  }
0x1a: {  	s23 =	sshra.s32 s22, $0x2  }
0x1b: {  	[tilespmem:s23+$0x2780] =	vst v2  }
0x1c: {  	s22 =	sadd.s32 $0x40, s22;
	[tilespmem:s23+$0x7600] =	vst v2  }
0x1d: {  	s22 =	simm.s32 $0x40;
	s23 =	simm.s32 $0x0  }
.LBB2_4:
0x1e: {  	p0 =	sne.s32 s22, $0x9FC0;
	[tilespmem:s23+$0x1BE80] =	vst v3;
	s23 =	smov.u32 s22;
	s22 =	sadd.s32 $0x40, s22  }
.Ltmp1:
0x1f: {  	(pc) =	sbr.rel @p0 .LBB2_4-.Ltmp1, $2  }
0x20: {  	_ =	sdelay $0x2  }
0x21: {  	s23 =	sshra.s32 s23, $0x2  }
0x22: {  	[tilespmem:s23+$0x1BE80] =	vst v3;
	s22 =	simm.s32 $0x0  }
0x23: {  	[tilespmem:s22], [sflag:$0x3] =	stream.linear.gather [hbm4b:s3+s22], $0x2710, $0x38;
	[tilespmem:$0x1E680] =	vst v63  }
0x24: {  	_ =	swait.ge [sflag:s15], $0x2710  }
0x25: {  	[sflag:s15] =	ssyncset.done $0x0  }
0x26: {  	s23 =	simm.s32 $0x0;
	[sflag:s15] =	ssyncadd.s32 $0xFFFFD8F0  }
.LBB2_6:
0x27: {  	_ =	swait.ge [sflag:s16], $0x3E80  }
0x28: {  	[sflag:s16] =	ssyncset.done $0x0  }
0x29: {  	[sflag:s16] =	ssyncadd.s32 $0xFFFFC180  }
0x2a: {  	_ =	swait.ge [sflag:s16], $0x3E80  }
0x2b: {  	[sflag:s16] =	ssyncset.done $0x0  }
0x2c: {  	s24 =	simm.s32 $0xC4D0;
	[sflag:s16] =	ssyncadd.s32 $0xFFFFC180  }
0x2d: {  	v5 =	vld [tilespmem:s24+$0x40]  }
0x2e: {  	s25 =	simm.s32 $0x141D0;
	v27 =	vld [tilespmem:s24+$0xFFFFFFB0]  }
0x2f: {  	v13 =	vld [tilespmem:s25+$0x10]  }
0x30: {  	v6 =	vld [tilespmem:s24+$0x20]  }
0x31: {  	v14 =	vld [tilespmem:s25+$0x20]  }
0x32: {  	v7 =	vld [tilespmem:s24+$0x10]  }
0x33: {  	v15 =	vld [tilespmem:s25+$0x0]  }
0x34: {  	v8 =	vld [tilespmem:s24+$0x0]  }
0x35: {  	v9 =	vld [tilespmem:s24+$0xFFFFFFF0]  }
0x36: {  	v10 =	vld [tilespmem:s24+$0xFFFFFFE0]  }
0x37: {  	v11 =	vld [tilespmem:s24+$0xFFFFFFD0]  }
0x38: {  	v16 =	vld [tilespmem:s25+$0xFFFFFFD0]  }
0x39: {  	v12 =	vld [tilespmem:s24+$0xFFFFFFC0]  }
0x3a: {  	v19 =	vld [tilespmem:s25+$0xFFFFFFF0]  }
0x3b: {  	v20 =	vld [tilespmem:s25+$0xFFFFFFB0]  }
0x3c: {  	v21 =	vld [tilespmem:s25+$0xFFFFFFC0]  }
0x3d: {  	v31 =	vld [tilespmem:s25+$0x40]  }
0x3e: {  	s26 =	sand.u32 $0x7FE0, s22;
	vm2 =	veq.s32 v15, v1;
	vm3 =	veq.s32 v15, v0;
	v15 =	vld [tilespmem:s25+$0xFFFFFFE0]  }
0x3f: {  	vm0 =	veq.s32 v14, v0;
	vm4 =	veq.s32 v13, v1;
	vm5 =	veq.s32 v13, v0;
	v13 =	vld [tilespmem:s26+$0xC500]  }
0x40: {  	vm1 =	veq.s32 v14, v1;
	vm6 =	veq.s32 v16, v0;
	vm7 =	veq.s32 v16, v1;
	v25 =	vld.idx.msk [tilespmem:v9+s1+$0x0], $0xffff  }
0x41: {  	vm8 =	veq.s32 v21, v0;
	vm10 =	veq.s32 v19, v0;
	vm11 =	veq.s32 v20, v0;
	v14 =	vld.idx.msk [tilespmem:v11+s1+$0x0], $0xffff  }
0x42: {  	vm12 =	veq.s32 v20, v1;
	v17 =	vsel vm3, $0x2710, v3;
	v26 =	vsel vm0, $0x2710, v3;
	v28 =	vld.idx.msk [tilespmem:v12+s1+$0x0], $0xffff  }
0x43: {  	vm1 =	vmor vm1, vm0;
	v18 =	vsel vm5, $0x2710, v3;
	vm0 =	vmor vm4, vm5;
	v29 =	vld.idx.msk [tilespmem:v27+s1+$0x0], $0xffff  }
0x44: {  	v16 =	vsel vm6, $0x2710, v3;
	vm4 =	veq.s32 v21, v1;
	vm5 =	veq.s32 v19, v1;
	v30 =	vld.idx.msk [tilespmem:v6+s1+$0x0], $0xffff  }
0x45: {  	vm2 =	vmor vm2, vm3;
	vm6 =	vmor vm7, vm6;
	v20 =	vsel vm10, $0x2710, v3;
	v21 =	vld.idx.msk [tilespmem:v10+s1+$0x0], $0xffff  }
0x46: {  	v22 =	vld.idx.msk [tilespmem:v5+s1+$0x0], $0xffff;
	vm9 =	veq.s32 v15, v0;
	vm7 =	veq.s32 v15, v1;
	v15 =	vadd.s32 v16, v14  }
0x47: {  	v19 =	vsel vm11, $0x2710, v3;
	vm3 =	vmor vm5, vm10;
	vm5 =	vmor vm12, vm11;
	v23 =	vld.idx.msk [tilespmem:v8+s1+$0x0], $0xffff;
	(xrf1) =	vunique.msk.u32 vm6, v15  }
0x48: {  	vm4 =	vmor vm4, vm8;
	v24 =	vld.idx.msk [tilespmem:v7+s1+$0x0], $0xffff;
	v14 =	vsel vm8, $0x2710, v3;
	v19 =	vadd.s32 v19, v29  }
0x49: {  	v63 =	vsel vm9, $0x2710, v3;
	v16 =	vadd.s32 v20, v25;
	v25 =	vld [tilespmem:s26+$0x14200];
	v20 =	vadd.s32 v14, v28;
	(xrf1) =	vunique.msk.u32 vm5, v19  }
0x4a: {  	v21 =	vadd.s32 v63, v21;
	vm6 =	vmor vm7, vm9;
	v14 =	vadd.s32 v26, v30;
	v26 =	vld.idx.msk [tilespmem:v13+s1+$0x0], $0xffff;
	(xrf1) =	vunique.msk.u32 vm4, v20  }
0x4b: {  	s26 =	simm.s32 $0xA0;
	[tilespmem:v27+s17+$0x0] =	vst.idx.msk $0xffff, v4;
	vm5 =	veq.s32 v31, v1;
	vm4 =	veq.s32 v31, v0;
	(xrf1) =	vunique.msk.u32 vm6, v21  }
.LBB2_7:
0x4c: {  	p0 =	sne.s32 s26, $0x3DE0;
	s25 =	sadd.s32 $0xA0, s25;
	s24 =	sadd.s32 $0xA0, s24;
	(xrf1) =	vunique.msk.u32 vm3, v16  }
0x4d: {  	v17 =	vadd.s32 v17, v23;
	s28 =	smov.u32 s26;
	s26 =	sadd.s32 $0xA0, s26;
	(xrf1) =	vunique.msk.u32 vm1, v14  }
0x4e: {  	v18 =	vadd.s32 v18, v24;
	vm1 =	veq.s32 v25, v0;
	vm3 =	veq.s32 v25, v1;
	(xrf1) =	vunique.msk.u32 vm2, v17  }
0x4f: {  	vm2 =	vmor vm3, vm1;
	v23 =	vsel vm1, $0x2710, v3;
	(xrf1) =	vunique.msk.u32 vm0, v18  }
0x50: {  	v24 =	vsel vm4, $0x2710, v3;
	v23 =	vadd.s32 v23, v26  }
0x51: {  	v22 =	vadd.s32 v24, v22;
	vm0 =	vmor vm5, vm4;
	(xrf1) =	vunique.msk.u32 vm2, v23  }
0x52: {  	(xrf1) =	vunique.msk.u32 vm0, v22;
	_ =	sdelay $0x1  }
0x53: {  	[tilespmem:v12+s17+$0x0] =	vst.idx.msk $0xffff, v4  }
0x54: {  	[tilespmem:v11+s17+$0x0] =	vst.idx.msk $0xffff, v4;
	_, v11, vm0 =	vpop (xrf1)  }
0x55: {  	[tilespmem:v10+s17+$0x0] =	vst.idx.msk $0xffff, v4  }
0x56: {  	[tilespmem:v9+s17+$0x0] =	vst.idx.msk $0xffff, v4;
	_, v9, vm1 =	vpop (xrf1)  }
0x57: {  	[tilespmem:v8+s17+$0x0] =	vst.idx.msk $0xffff, v4;
	_, v8, vm2 =	vpop (xrf1)  }
0x58: {  	[tilespmem:v7+s17+$0x0] =	vst.idx.msk $0xffff, v4;
	_, v7, vm3 =	vpop (xrf1)  }
0x59: {  	[tilespmem:v6+s17+$0x0] =	vst.idx.msk $0xffff, v4;
	_, v6, vm4 =	vpop (xrf1)  }
0x5a: {  	v9 =	vcvt.s32.f32 v9;
	[tilespmem:v13+s17+$0x0] =	vst.idx.msk $0xffff, v4;
	_, v10, vm5 =	vpop (xrf1)  }
0x5b: {  	[tilespmem:v5+s17+$0x0] =	vst.idx.msk $0xffff, v4;
	v5 =	vcvt.s32.f32 v8;
	_, v8, vm6 =	vpop (xrf1)  }
0x5c: {  	[tilespmem:v19+s18+$0x0] =	vst.idx.add.f32.msk vm1, v9;
	v9 =	vcvt.s32.f32 v11;
	_, v11, vm1 =	vpop (xrf1)  }
0x5d: {  	[tilespmem:v20+s18+$0x0] =	vst.idx.add.f32.msk vm2, v5;
	v5 =	vcvt.s32.f32 v7  }
0x5e: {  	v6 =	vcvt.s32.f32 v6;
	[tilespmem:v15+s18+$0x0] =	vst.idx.add.f32.msk vm0, v9;
	_, v7, vm0 =	vpop (xrf1)  }
0x5f: {  	[tilespmem:v21+s18+$0x0] =	vst.idx.add.f32.msk vm3, v5;
	v5 =	vcvt.s32.f32 v8;
	_, v8, vm2 =	vpop (xrf1)  }
0x60: {  	s28 =	sand.u32 $0x7FE0, s28;
	[tilespmem:v16+s18+$0x0] =	vst.idx.add.f32.msk vm4, v6;
	v6 =	vcvt.s32.f32 v11  }
0x61: {  	[tilespmem:v17+s18+$0x0] =	vst.idx.add.f32.msk vm6, v5;
	v5 =	vcvt.s32.f32 v10  }
0x62: {  	[tilespmem:v18+s18+$0x0] =	vst.idx.add.f32.msk vm1, v6;
	v6 =	vcvt.s32.f32 v7  }
0x63: {  	[tilespmem:v14+s18+$0x0] =	vst.idx.add.f32.msk vm5, v5;
	v5 =	vcvt.s32.f32 v8  }
0x64: {  	[tilespmem:v23+s18+$0x0] =	vst.idx.add.f32.msk vm0, v6  }
0x65: {  	[tilespmem:v22+s18+$0x0] =	vst.idx.add.f32.msk vm2, v5  }
0x66: {  	v5 =	vld [tilespmem:s24+$0x40]  }
0x67: {  	v27 =	vld [tilespmem:s24+$0xFFFFFFB0]  }
0x68: {  	v13 =	vld [tilespmem:s25+$0x10]  }
0x69: {  	v6 =	vld [tilespmem:s24+$0x20]  }
0x6a: {  	v14 =	vld [tilespmem:s25+$0x20]  }
0x6b: {  	v7 =	vld [tilespmem:s24+$0x10]  }
0x6c: {  	v15 =	vld [tilespmem:s25+$0x0]  }
0x6d: {  	v8 =	vld [tilespmem:s24+$0x0]  }
0x6e: {  	v9 =	vld [tilespmem:s24+$0xFFFFFFF0]  }
0x6f: {  	v10 =	vld [tilespmem:s24+$0xFFFFFFE0]  }
0x70: {  	v11 =	vld [tilespmem:s24+$0xFFFFFFD0]  }
0x71: {  	v16 =	vld [tilespmem:s25+$0xFFFFFFD0];
	vm2 =	veq.s32 v15, v1  }
0x72: {  	vm3 =	veq.s32 v15, v0;
	v12 =	vld [tilespmem:s24+$0xFFFFFFC0]  }
0x73: {  	vm0 =	veq.s32 v14, v0;
	v15 =	vld [tilespmem:s25+$0xFFFFFFF0]  }
0x74: {  	vm1 =	veq.s32 v14, v1;
	v17 =	vsel vm3, $0x2710, v3;
	v19 =	vld [tilespmem:s25+$0xFFFFFFB0]  }
0x75: {  	vm4 =	veq.s32 v13, v1;
	v21 =	vsel vm0, $0x2710, v3;
	v14 =	vld [tilespmem:s25+$0xFFFFFFC0]  }
0x76: {  	vm5 =	veq.s32 v13, v0;
	vm1 =	vmor vm1, vm0;
	v20 =	vld.idx.msk [tilespmem:v9+s1+$0x0], $0xffff  }
0x77: {  	v18 =	vsel vm5, $0x2710, v3;
	v22 =	vld [tilespmem:s25+$0xFFFFFFE0]  }
0x78: {  	vm6 =	veq.s32 v16, v0;
	v23 =	vld.idx.msk [tilespmem:v11+s1+$0x0], $0xffff  }
0x79: {  	vm0 =	vmor vm4, vm5;
	vm7 =	veq.s32 v16, v1;
	v13 =	vld [tilespmem:s28+$0xC500]  }
0x7a: {  	v16 =	vsel vm6, $0x2710, v3;
	v26 =	vld.idx.msk [tilespmem:v12+s1+$0x0], $0xffff  }
0x7b: {  	vm2 =	vmor vm2, vm3;
	vm5 =	veq.s32 v15, v1;
	vm4 =	veq.s32 v14, v1;
	v25 =	vld.idx.msk [tilespmem:v27+s1+$0x0], $0xffff  }
0x7c: {  	vm10 =	veq.s32 v15, v0;
	vm8 =	veq.s32 v14, v0;
	v28 =	vld.idx.msk [tilespmem:v6+s1+$0x0], $0xffff;
	vm9 =	veq.s32 v22, v0  }
0x7d: {  	vm6 =	vmor vm7, vm6;
	vm11 =	veq.s32 v19, v0;
	vm7 =	veq.s32 v22, v1;
	v29 =	vld.idx.msk [tilespmem:v10+s1+$0x0], $0xffff  }
0x7e: {  	vm12 =	veq.s32 v19, v1;
	vm3 =	vmor vm5, vm10;
	v14 =	vsel vm10, $0x2710, v3;
	v22 =	vld.idx.msk [tilespmem:v5+s1+$0x0], $0xffff  }
0x7f: {  	vm5 =	vmor vm12, vm11;
	v19 =	vsel vm11, $0x2710, v3;
	v15 =	vadd.s32 v16, v23;
	v30 =	vld [tilespmem:s25+$0x40]  }
.Ltmp2:
0x80: {  	vm4 =	vmor vm4, vm8;
	v31 =	vsel vm8, $0x2710, v3;
	vm7 =	vmor vm7, vm9;
	v23 =	vld.idx.msk [tilespmem:v8+s1+$0x0], $0xffff;
	(xrf1) =	vunique.msk.u32 vm6, v15;
	(pc) =	sbr.rel @p0 .LBB2_7-.Ltmp2, $4  }
0x81: {  	v16 =	vadd.s32 v14, v20;
	v19 =	vadd.s32 v19, v25;
	v24 =	vld.idx.msk [tilespmem:v7+s1+$0x0], $0xffff  }
0x82: {  	v20 =	vadd.s32 v31, v26;
	v31 =	vsel vm9, $0x2710, v3;
	v14 =	vadd.s32 v21, v28;
	v25 =	vld [tilespmem:s28+$0x14200];
	(xrf1) =	vunique.msk.u32 vm5, v19  }
0x83: {  	v21 =	vadd.s32 v31, v29;
	v26 =	vld.idx.msk [tilespmem:v13+s1+$0x0], $0xffff;
	(xrf1) =	vunique.msk.u32 vm4, v20  }
0x84: {  	vm4 =	veq.s32 v30, v0;
	vm5 =	veq.s32 v30, v1;
	[tilespmem:v27+s17+$0x0] =	vst.idx.msk $0xffff, v4;
	(xrf1) =	vunique.msk.u32 vm7, v21  }
0x85: {  	(xrf1) =	vunique.msk.u32 vm3, v16  }
0x86: {  	v17 =	vadd.s32 v17, v23;
	(xrf1) =	vunique.msk.u32 vm1, v14  }
0x87: {  	v18 =	vadd.s32 v18, v24;
	vm1 =	veq.s32 v25, v0;
	(xrf1) =	vunique.msk.u32 vm2, v17  }
0x88: {  	vm2 =	veq.s32 v25, v1;
	v23 =	vsel vm1, $0x2710, v3;
	(xrf1) =	vunique.msk.u32 vm0, v18  }
0x89: {  	v24 =	vsel vm4, $0x2710, v3;
	vm0 =	vmor vm2, vm1;
	v23 =	vadd.s32 v23, v26  }
0x8a: {  	v22 =	vadd.s32 v24, v22;
	vm1 =	vmor vm5, vm4;
	(xrf1) =	vunique.msk.u32 vm0, v23  }
0x8b: {  	(xrf1) =	vunique.msk.u32 vm1, v22;
	_ =	sdelay $0x1  }
0x8c: {  	[tilespmem:v12+s17+$0x0] =	vst.idx.msk $0xffff, v4  }
0x8d: {  	[tilespmem:v11+s17+$0x0] =	vst.idx.msk $0xffff, v4  }
0x8e: {  	[tilespmem:v10+s17+$0x0] =	vst.idx.msk $0xffff, v4;
	_, v11, vm0 =	vpop (xrf1)  }
0x8f: {  	[tilespmem:v9+s17+$0x0] =	vst.idx.msk $0xffff, v4;
	_, v9, vm1 =	vpop (xrf1)  }
0x90: {  	[tilespmem:v8+s17+$0x0] =	vst.idx.msk $0xffff, v4;
	_, v8, vm2 =	vpop (xrf1)  }
0x91: {  	[tilespmem:v7+s17+$0x0] =	vst.idx.msk $0xffff, v4;
	_, v7, vm3 =	vpop (xrf1)  }
0x92: {  	[tilespmem:v6+s17+$0x0] =	vst.idx.msk $0xffff, v4;
	_, v6, vm4 =	vpop (xrf1)  }
0x93: {  	[tilespmem:v13+s17+$0x0] =	vst.idx.msk $0xffff, v4;
	v9 =	vcvt.s32.f32 v9;
	_, v10, vm5 =	vpop (xrf1)  }
0x94: {  	[tilespmem:v5+s17+$0x0] =	vst.idx.msk $0xffff, v4;
	v5 =	vcvt.s32.f32 v8;
	_, v8, vm6 =	vpop (xrf1)  }
0x95: {  	[tilespmem:v19+s18+$0x0] =	vst.idx.add.f32.msk vm1, v9;
	v9 =	vcvt.s32.f32 v11;
	_, v11, vm1 =	vpop (xrf1)  }
0x96: {  	[tilespmem:v20+s18+$0x0] =	vst.idx.add.f32.msk vm2, v5;
	v5 =	vcvt.s32.f32 v7  }
0x97: {  	v6 =	vcvt.s32.f32 v6;
	[tilespmem:v15+s18+$0x0] =	vst.idx.add.f32.msk vm0, v9;
	_, v7, vm0 =	vpop (xrf1)  }
0x98: {  	[tilespmem:v21+s18+$0x0] =	vst.idx.add.f32.msk vm3, v5;
	v5 =	vcvt.s32.f32 v8;
	_, v8, vm2 =	vpop (xrf1)  }
0x99: {  	p0 =	seq.s32 s23, $0x9;
	[tilespmem:v16+s18+$0x0] =	vst.idx.add.f32.msk vm4, v6;
	v6 =	vcvt.s32.f32 v11  }
0x9a: {  	s24 =	smul.u32 @!p0 $0x7D00, s23;
	[tilespmem:v17+s18+$0x0] =	vst.idx.add.f32.msk vm6, v5;
	v5 =	vcvt.s32.f32 v10  }
0x9b: {  	[tilespmem:v18+s18+$0x0] =	vst.idx.add.f32.msk vm1, v6;
	v6 =	vcvt.s32.f32 v7  }
0x9c: {  	s24 =	sadd.s32 @!p0 $0x7D00, s24;
	[tilespmem:v14+s18+$0x0] =	vst.idx.add.f32.msk vm5, v5;
	v5 =	vcvt.s32.f32 v8  }
0x9d: {  	s26 =	simm.s32 @!p0 $0x0;
	s25 =	sshrl.u32 @!p0 s24, $0x3;
	s24 =	sadd.s32 @!p0 s4, s24;
	[tilespmem:v23+s18+$0x0] =	vst.idx.add.f32.msk vm0, v6  }
0x9e: {  	s28 =	simm.s32 @!p0 $0xC480;
	s25 =	sadd.s32 @!p0 s3, s25;
	s24 =	sshrl.u32 @!p0 s24, $0x3;
	[tilespmem:v22+s18+$0x0] =	vst.idx.add.f32.msk vm2, v5  }
0x9f: {  	[tilespmem:s28], [sflag:$0x1] =	stream.linear.gather @!p0 [hbm4b:s25+s26], $0x3E80, $0x38;
	[tilespmem:$0x1E680] =	vst v63  }
0xa0: {  	s24 =	sadd.s32 @!p0 s5, s24;
	s25 =	simm.s32 @!p0 $0x14180  }
0xa1: {  	[tilespmem:s25], [sflag:$0x1] =	stream.linear.gather @!p0 [hbm4b:s24+s26], $0x3E80, $0x38;
	[tilespmem:$0x1E680] =	vst v63  }
0xa2: {  	_ =	swait.ge [sflag:s19], $0x3E80  }
0xa3: {  	[sflag:s19] =	ssyncset.done $0x0  }
0xa4: {  	[sflag:s19] =	ssyncadd.s32 $0xFFFFC180  }
0xa5: {  	_ =	swait.ge [sflag:s19], $0x3E80  }
0xa6: {  	[sflag:s19] =	ssyncset.done $0x0  }
0xa7: {  	s24 =	simm.s32 $0x10350;
	[sflag:s19] =	ssyncadd.s32 $0xFFFFC180  }
0xa8: {  	v5 =	vld [tilespmem:s24+$0x40]  }
0xa9: {  	s25 =	simm.s32 $0x18050;
	v27 =	vld [tilespmem:s24+$0xFFFFFFB0]  }
0xaa: {  	v13 =	vld [tilespmem:s25+$0x10]  }
0xab: {  	v6 =	vld [tilespmem:s24+$0x20]  }
0xac: {  	v14 =	vld [tilespmem:s25+$0x20]  }
0xad: {  	v7 =	vld [tilespmem:s24+$0x10]  }
0xae: {  	v15 =	vld [tilespmem:s25+$0x0]  }
0xaf: {  	v8 =	vld [tilespmem:s24+$0x0]  }
0xb0: {  	v9 =	vld [tilespmem:s24+$0xFFFFFFF0]  }
0xb1: {  	v10 =	vld [tilespmem:s24+$0xFFFFFFE0]  }
0xb2: {  	v11 =	vld [tilespmem:s24+$0xFFFFFFD0]  }
0xb3: {  	v16 =	vld [tilespmem:s25+$0xFFFFFFD0]  }
0xb4: {  	v12 =	vld [tilespmem:s24+$0xFFFFFFC0]  }
0xb5: {  	v19 =	vld [tilespmem:s25+$0xFFFFFFF0]  }
0xb6: {  	v20 =	vld [tilespmem:s25+$0xFFFFFFB0]  }
0xb7: {  	v21 =	vld [tilespmem:s25+$0xFFFFFFC0]  }
0xb8: {  	s31 =	simm.s32 $0x0;
	v31 =	vld [tilespmem:s25+$0x40]  }
0xb9: {  	s26 =	sand.u32 $0x7FE0, s31;
	vm2 =	veq.s32 v15, v1;
	vm3 =	veq.s32 v15, v0;
	v15 =	vld [tilespmem:s25+$0xFFFFFFE0]  }
0xba: {  	vm0 =	veq.s32 v14, v0;
	vm4 =	veq.s32 v13, v1;
	vm5 =	veq.s32 v13, v0;
	v13 =	vld [tilespmem:s26+$0x10380]  }
0xbb: {  	vm1 =	veq.s32 v14, v1;
	vm6 =	veq.s32 v16, v0;
	vm7 =	veq.s32 v16, v1;
	v25 =	vld.idx.msk [tilespmem:v9+s1+$0x0], $0xffff  }
0xbc: {  	vm8 =	veq.s32 v21, v0;
	vm10 =	veq.s32 v19, v0;
	vm11 =	veq.s32 v20, v0;
	v14 =	vld.idx.msk [tilespmem:v11+s1+$0x0], $0xffff  }
0xbd: {  	vm12 =	veq.s32 v20, v1;
	v17 =	vsel vm3, $0x2710, v3;
	v26 =	vsel vm0, $0x2710, v3;
	v28 =	vld.idx.msk [tilespmem:v12+s1+$0x0], $0xffff  }
0xbe: {  	vm1 =	vmor vm1, vm0;
	v18 =	vsel vm5, $0x2710, v3;
	vm0 =	vmor vm4, vm5;
	v29 =	vld.idx.msk [tilespmem:v27+s1+$0x0], $0xffff  }
0xbf: {  	v16 =	vsel vm6, $0x2710, v3;
	vm4 =	veq.s32 v21, v1;
	vm5 =	veq.s32 v19, v1;
	v30 =	vld.idx.msk [tilespmem:v6+s1+$0x0], $0xffff  }
0xc0: {  	vm2 =	vmor vm2, vm3;
	vm6 =	vmor vm7, vm6;
	v20 =	vsel vm10, $0x2710, v3;
	v21 =	vld.idx.msk [tilespmem:v10+s1+$0x0], $0xffff  }
0xc1: {  	v22 =	vld.idx.msk [tilespmem:v5+s1+$0x0], $0xffff;
	vm9 =	veq.s32 v15, v0;
	vm7 =	veq.s32 v15, v1;
	v15 =	vadd.s32 v16, v14  }
0xc2: {  	v19 =	vsel vm11, $0x2710, v3;
	vm3 =	vmor vm5, vm10;
	vm5 =	vmor vm12, vm11;
	v23 =	vld.idx.msk [tilespmem:v8+s1+$0x0], $0xffff;
	(xrf1) =	vunique.msk.u32 vm6, v15  }
0xc3: {  	vm4 =	vmor vm4, vm8;
	v24 =	vld.idx.msk [tilespmem:v7+s1+$0x0], $0xffff;
	v14 =	vsel vm8, $0x2710, v3;
	v19 =	vadd.s32 v19, v29  }
0xc4: {  	v63 =	vsel vm9, $0x2710, v3;
	v16 =	vadd.s32 v20, v25;
	v25 =	vld [tilespmem:s26+$0x18080];
	v20 =	vadd.s32 v14, v28;
	(xrf1) =	vunique.msk.u32 vm5, v19  }
0xc5: {  	v21 =	vadd.s32 v63, v21;
	vm6 =	vmor vm7, vm9;
	v14 =	vadd.s32 v26, v30;
	v26 =	vld.idx.msk [tilespmem:v13+s1+$0x0], $0xffff;
	(xrf1) =	vunique.msk.u32 vm4, v20  }
0xc6: {  	s26 =	simm.s32 $0xA0;
	[tilespmem:v27+s17+$0x0] =	vst.idx.msk $0xffff, v4;
	vm5 =	veq.s32 v31, v1;
	vm4 =	veq.s32 v31, v0;
	(xrf1) =	vunique.msk.u32 vm6, v21  }
.LBB2_9:
0xc7: {  	p1 =	sne.s32 s26, $0x3DE0;
	s25 =	sadd.s32 $0xA0, s25;
	s24 =	sadd.s32 $0xA0, s24;
	(xrf1) =	vunique.msk.u32 vm3, v16  }
0xc8: {  	v17 =	vadd.s32 v17, v23;
	s28 =	smov.u32 s26;
	s26 =	sadd.s32 $0xA0, s26;
	(xrf1) =	vunique.msk.u32 vm1, v14  }
0xc9: {  	v18 =	vadd.s32 v18, v24;
	vm1 =	veq.s32 v25, v0;
	vm3 =	veq.s32 v25, v1;
	(xrf1) =	vunique.msk.u32 vm2, v17  }
0xca: {  	vm2 =	vmor vm3, vm1;
	v23 =	vsel vm1, $0x2710, v3;
	(xrf1) =	vunique.msk.u32 vm0, v18  }
0xcb: {  	v24 =	vsel vm4, $0x2710, v3;
	v23 =	vadd.s32 v23, v26  }
0xcc: {  	v22 =	vadd.s32 v24, v22;
	vm0 =	vmor vm5, vm4;
	(xrf1) =	vunique.msk.u32 vm2, v23  }
0xcd: {  	(xrf1) =	vunique.msk.u32 vm0, v22;
	_ =	sdelay $0x1  }
0xce: {  	[tilespmem:v12+s17+$0x0] =	vst.idx.msk $0xffff, v4  }
0xcf: {  	[tilespmem:v11+s17+$0x0] =	vst.idx.msk $0xffff, v4;
	_, v11, vm0 =	vpop (xrf1)  }
0xd0: {  	[tilespmem:v10+s17+$0x0] =	vst.idx.msk $0xffff, v4  }
0xd1: {  	[tilespmem:v9+s17+$0x0] =	vst.idx.msk $0xffff, v4;
	_, v9, vm1 =	vpop (xrf1)  }
0xd2: {  	[tilespmem:v8+s17+$0x0] =	vst.idx.msk $0xffff, v4;
	_, v8, vm2 =	vpop (xrf1)  }
0xd3: {  	[tilespmem:v7+s17+$0x0] =	vst.idx.msk $0xffff, v4;
	_, v7, vm3 =	vpop (xrf1)  }
0xd4: {  	[tilespmem:v6+s17+$0x0] =	vst.idx.msk $0xffff, v4;
	_, v6, vm4 =	vpop (xrf1)  }
0xd5: {  	v9 =	vcvt.s32.f32 v9;
	[tilespmem:v13+s17+$0x0] =	vst.idx.msk $0xffff, v4;
	_, v10, vm5 =	vpop (xrf1)  }
0xd6: {  	[tilespmem:v5+s17+$0x0] =	vst.idx.msk $0xffff, v4;
	v5 =	vcvt.s32.f32 v8;
	_, v8, vm6 =	vpop (xrf1)  }
0xd7: {  	[tilespmem:v19+s18+$0x0] =	vst.idx.add.f32.msk vm1, v9;
	v9 =	vcvt.s32.f32 v11;
	_, v11, vm1 =	vpop (xrf1)  }
0xd8: {  	[tilespmem:v20+s18+$0x0] =	vst.idx.add.f32.msk vm2, v5;
	v5 =	vcvt.s32.f32 v7  }
0xd9: {  	v6 =	vcvt.s32.f32 v6;
	[tilespmem:v15+s18+$0x0] =	vst.idx.add.f32.msk vm0, v9;
	_, v7, vm0 =	vpop (xrf1)  }
0xda: {  	[tilespmem:v21+s18+$0x0] =	vst.idx.add.f32.msk vm3, v5;
	v5 =	vcvt.s32.f32 v8;
	_, v8, vm2 =	vpop (xrf1)  }
0xdb: {  	s28 =	sand.u32 $0x7FE0, s28;
	[tilespmem:v16+s18+$0x0] =	vst.idx.add.f32.msk vm4, v6;
	v6 =	vcvt.s32.f32 v11  }
0xdc: {  	[tilespmem:v17+s18+$0x0] =	vst.idx.add.f32.msk vm6, v5;
	v5 =	vcvt.s32.f32 v10  }
0xdd: {  	[tilespmem:v18+s18+$0x0] =	vst.idx.add.f32.msk vm1, v6;
	v6 =	vcvt.s32.f32 v7  }
0xde: {  	[tilespmem:v14+s18+$0x0] =	vst.idx.add.f32.msk vm5, v5;
	v5 =	vcvt.s32.f32 v8  }
0xdf: {  	[tilespmem:v23+s18+$0x0] =	vst.idx.add.f32.msk vm0, v6  }
0xe0: {  	[tilespmem:v22+s18+$0x0] =	vst.idx.add.f32.msk vm2, v5  }
0xe1: {  	v5 =	vld [tilespmem:s24+$0x40]  }
0xe2: {  	v27 =	vld [tilespmem:s24+$0xFFFFFFB0]  }
0xe3: {  	v13 =	vld [tilespmem:s25+$0x10]  }
0xe4: {  	v6 =	vld [tilespmem:s24+$0x20]  }
0xe5: {  	v14 =	vld [tilespmem:s25+$0x20]  }
0xe6: {  	v7 =	vld [tilespmem:s24+$0x10]  }
0xe7: {  	v15 =	vld [tilespmem:s25+$0x0]  }
0xe8: {  	v8 =	vld [tilespmem:s24+$0x0]  }
0xe9: {  	v9 =	vld [tilespmem:s24+$0xFFFFFFF0]  }
0xea: {  	v10 =	vld [tilespmem:s24+$0xFFFFFFE0]  }
0xeb: {  	v11 =	vld [tilespmem:s24+$0xFFFFFFD0]  }
0xec: {  	v16 =	vld [tilespmem:s25+$0xFFFFFFD0];
	vm2 =	veq.s32 v15, v1  }
0xed: {  	vm3 =	veq.s32 v15, v0;
	v12 =	vld [tilespmem:s24+$0xFFFFFFC0]  }
0xee: {  	vm0 =	veq.s32 v14, v0;
	v15 =	vld [tilespmem:s25+$0xFFFFFFF0]  }
0xef: {  	vm1 =	veq.s32 v14, v1;
	v17 =	vsel vm3, $0x2710, v3;
	v19 =	vld [tilespmem:s25+$0xFFFFFFB0]  }
0xf0: {  	vm4 =	veq.s32 v13, v1;
	v21 =	vsel vm0, $0x2710, v3;
	v14 =	vld [tilespmem:s25+$0xFFFFFFC0]  }
0xf1: {  	vm5 =	veq.s32 v13, v0;
	vm1 =	vmor vm1, vm0;
	v20 =	vld.idx.msk [tilespmem:v9+s1+$0x0], $0xffff  }
0xf2: {  	v18 =	vsel vm5, $0x2710, v3;
	v22 =	vld [tilespmem:s25+$0xFFFFFFE0]  }
0xf3: {  	vm6 =	veq.s32 v16, v0;
	v23 =	vld.idx.msk [tilespmem:v11+s1+$0x0], $0xffff  }
0xf4: {  	vm0 =	vmor vm4, vm5;
	vm7 =	veq.s32 v16, v1;
	v13 =	vld [tilespmem:s28+$0x10380]  }
0xf5: {  	v16 =	vsel vm6, $0x2710, v3;
	v26 =	vld.idx.msk [tilespmem:v12+s1+$0x0], $0xffff  }
0xf6: {  	vm2 =	vmor vm2, vm3;
	vm5 =	veq.s32 v15, v1;
	vm4 =	veq.s32 v14, v1;
	v25 =	vld.idx.msk [tilespmem:v27+s1+$0x0], $0xffff  }
0xf7: {  	vm10 =	veq.s32 v15, v0;
	vm8 =	veq.s32 v14, v0;
	v28 =	vld.idx.msk [tilespmem:v6+s1+$0x0], $0xffff;
	vm9 =	veq.s32 v22, v0  }
0xf8: {  	vm6 =	vmor vm7, vm6;
	vm11 =	veq.s32 v19, v0;
	vm7 =	veq.s32 v22, v1;
	v29 =	vld.idx.msk [tilespmem:v10+s1+$0x0], $0xffff  }
0xf9: {  	vm12 =	veq.s32 v19, v1;
	vm3 =	vmor vm5, vm10;
	v14 =	vsel vm10, $0x2710, v3;
	v22 =	vld.idx.msk [tilespmem:v5+s1+$0x0], $0xffff  }
0xfa: {  	vm5 =	vmor vm12, vm11;
	v19 =	vsel vm11, $0x2710, v3;
	v15 =	vadd.s32 v16, v23;
	v30 =	vld [tilespmem:s25+$0x40]  }
.Ltmp3:
0xfb: {  	vm4 =	vmor vm4, vm8;
	v31 =	vsel vm8, $0x2710, v3;
	vm7 =	vmor vm7, vm9;
	v23 =	vld.idx.msk [tilespmem:v8+s1+$0x0], $0xffff;
	(xrf1) =	vunique.msk.u32 vm6, v15;
	(pc) =	sbr.rel @p1 .LBB2_9-.Ltmp3, $4  }
0xfc: {  	v16 =	vadd.s32 v14, v20;
	v19 =	vadd.s32 v19, v25;
	v24 =	vld.idx.msk [tilespmem:v7+s1+$0x0], $0xffff  }
0xfd: {  	v20 =	vadd.s32 v31, v26;
	v31 =	vsel vm9, $0x2710, v3;
	v14 =	vadd.s32 v21, v28;
	v25 =	vld [tilespmem:s28+$0x18080];
	(xrf1) =	vunique.msk.u32 vm5, v19  }
0xfe: {  	v21 =	vadd.s32 v31, v29;
	v26 =	vld.idx.msk [tilespmem:v13+s1+$0x0], $0xffff;
	(xrf1) =	vunique.msk.u32 vm4, v20  }
0xff: {  	vm4 =	veq.s32 v30, v0;
	vm5 =	veq.s32 v30, v1;
	[tilespmem:v27+s17+$0x0] =	vst.idx.msk $0xffff, v4;
	(xrf1) =	vunique.msk.u32 vm7, v21  }
0x100: {  	(xrf1) =	vunique.msk.u32 vm3, v16  }
0x101: {  	v17 =	vadd.s32 v17, v23;
	(xrf1) =	vunique.msk.u32 vm1, v14  }
0x102: {  	v18 =	vadd.s32 v18, v24;
	vm10 =	veq.s32 v25, v0;
	(xrf1) =	vunique.msk.u32 vm2, v17  }
0x103: {  	vm11 =	veq.s32 v25, v1;
	v54 =	vsel vm10, $0x2710, v3;
	(xrf1) =	vunique.msk.u32 vm0, v18  }
0x104: {  	v55 =	vsel vm4, $0x2710, v3;
	vm12 =	vmor vm11, vm10;
	v23 =	vadd.s32 v54, v26  }
0x105: {  	vm13 =	vmor vm5, vm4;
	v22 =	vadd.s32 v55, v22;
	(xrf1) =	vunique.msk.u32 vm12, v23  }
0x106: {  	(xrf1) =	vunique.msk.u32 vm13, v22;
	_ =	sdelay $0x1  }
0x107: {  	[tilespmem:v12+s17+$0x0] =	vst.idx.msk $0xffff, v4  }
0x108: {  	[tilespmem:v11+s17+$0x0] =	vst.idx.msk $0xffff, v4  }
0x109: {  	[tilespmem:v10+s17+$0x0] =	vst.idx.msk $0xffff, v4;
	_, v56, vm14 =	vpop (xrf1)  }
0x10a: {  	[tilespmem:v9+s17+$0x0] =	vst.idx.msk $0xffff, v4;
	_, v57, vm15 =	vpop (xrf1)  }
0x10b: {  	[tilespmem:v8+s17+$0x0] =	vst.idx.msk $0xffff, v4;
	_, v58, vm9 =	vpop (xrf1)  }
0x10c: {  	[tilespmem:v7+s17+$0x0] =	vst.idx.msk $0xffff, v4;
	_, v7, vm10 =	vpop (xrf1)  }
0x10d: {  	[tilespmem:v6+s17+$0x0] =	vst.idx.msk $0xffff, v4;
	_, v6, vm11 =	vpop (xrf1)  }
0x10e: {  	[tilespmem:v13+s17+$0x0] =	vst.idx.msk $0xffff, v4;
	v9 =	vcvt.s32.f32 v57;
	_, v59, vm12 =	vpop (xrf1)  }
0x10f: {  	[tilespmem:v5+s17+$0x0] =	vst.idx.msk $0xffff, v4;
	v5 =	vcvt.s32.f32 v58;
	_, v60, vm6 =	vpop (xrf1)  }
0x110: {  	v61 =	vcvt.s32.f32 v56;
	[tilespmem:v19+s18+$0x0] =	vst.idx.add.f32.msk vm15, v9;
	_, v62, vm13 =	vpop (xrf1)  }
0x111: {  	[tilespmem:v20+s18+$0x0] =	vst.idx.add.f32.msk vm9, v5;
	v5 =	vcvt.s32.f32 v7  }
0x112: {  	v6 =	vcvt.s32.f32 v6;
	[tilespmem:v15+s18+$0x0] =	vst.idx.add.f32.msk vm14, v61;
	_, v7, vm14 =	vpop (xrf1)  }
0x113: {  	[tilespmem:v21+s18+$0x0] =	vst.idx.add.f32.msk vm10, v5;
	v5 =	vcvt.s32.f32 v60;
	_, v63, vm15 =	vpop (xrf1)  }
0x114: {  	[tilespmem:v16+s18+$0x0] =	vst.idx.add.f32.msk vm11, v6;
	v6 =	vcvt.s32.f32 v62  }
.Ltmp4:
0x115: {  	[tilespmem:v17+s18+$0x0] =	vst.idx.add.f32.msk vm6, v5;
	v5 =	vcvt.s32.f32 v59;
	(pc) =	sbr.rel @p0 .LBB2_11-.Ltmp4, $4  }
0x116: {  	[tilespmem:v18+s18+$0x0] =	vst.idx.add.f32.msk vm13, v6;
	v6 =	vcvt.s32.f32 v7  }
0x117: {  	[tilespmem:v14+s18+$0x0] =	vst.idx.add.f32.msk vm12, v5;
	v5 =	vcvt.s32.f32 v63  }
0x118: {  	[tilespmem:v23+s18+$0x0] =	vst.idx.add.f32.msk vm14, v6  }
0x119: {  	[tilespmem:v22+s18+$0x0] =	vst.idx.add.f32.msk vm15, v5  }
0x11a: {  	s24 =	smul.u32 $0x7D00, s23;
	_ =	sdelay $0x1  }
0x11b: {  	s24 =	sadd.s32 $0xBB80, s24  }
.Ltmp5:
0x11c: {  	s25 =	sshrl.u32 s24, $0x3;
	s24 =	sadd.s32 s4, s24;
	(pc) =	sbr.rel .LBB2_6-.Ltmp5, $4  }
0x11d: {  	s25 =	sadd.s32 s3, s25;
	s24 =	sshrl.u32 s24, $0x3  }
0x11e: {  	[tilespmem:s13], [sflag:$0x2] =	stream.linear.gather [hbm4b:s25+s1], $0x3E80, $0x38;
	[tilespmem:$0x1E680] =	vst v63  }
0x11f: {  	s23 =	sadd.s32 $0x1, s23;
	s24 =	sadd.s32 s5, s24  }
0x120: {  	[tilespmem:s14], [sflag:$0x2] =	stream.linear.gather [hbm4b:s24+s1], $0x3E80, $0x38;
	[tilespmem:$0x1E680] =	vst v63  }
.LBB2_11:
0x121: {  	s23 =	simm.s32 $0x0  }
0x122: {  	v5 =	vld [tilespmem:s23+$0x1BE80];
	_ =	sdelay $0x4  }
0x123: {  	(xrf0) =	vadd.scan.msk.s32 $0xffff, v5;
	_ =	sdelay $0x5  }
0x124: {  	v6, _, _ =	vpop (xrf0)  }
0x125: {  	(v2sf) =	vpush v6, $0xF  }
0x126: {  	s22 =	simm.s32 $0x0;
	vm0 =	veq.s32 v5, $0x1;
	v6 =	vsub.s32 v6, v5  }
0x127: {  	v5 =	vadd.s32 s22, v6;
	v6 =	vld [tilespmem:s23+$0x2780]  }
0x128: {  	v7 =	vld [tilespmem:s23+$0x4E90];
	v8 =	vadd.s32 $0x2710, v5;
	_ =	sdelay $0x3  }
0x129: {  	[tilespmem:v5+s20+$0x0] =	vst.idx.msk vm0, v6  }
0x12a: {  	s23 =	simm.s32 $0x10;
	[tilespmem:v8+s20+$0x0] =	vst.idx.msk vm0, v7  }
0x12b: {  	v5 =	vld [tilespmem:s23+$0x1BE80];
	_ =	sdelay $0x4  }
0x12c: {  	(xrf0) =	vadd.scan.msk.s32 $0xffff, v5  }
0x12d: {  	s24 =	simm.s32 $0x80;
	s25 =	spop (v2sf)  }
.LBB2_12:
0x12e: {  	p0 =	sne.s32 s24, $0x9C00  }
0x12f: {  	s22 =	sadd.s32 s22, s25;
	s25 =	smov.u32 s24;
	s24 =	sadd.s32 $0x40, s24  }
0x130: {  	_ =	sdelay $0x1  }
0x131: {  	v6, _, _ =	vpop (xrf0)  }
0x132: {  	vm0 =	veq.s32 v5, $0x1;
	v7 =	vsub.s32 v6, v5;
	(v2sf) =	vpush v6, $0xF  }
0x133: {  	v5 =	vadd.s32 s22, v7;
	v6 =	vld [tilespmem:s23+$0x2780]  }
0x134: {  	v7 =	vld [tilespmem:s23+$0x4E90];
	v8 =	vadd.s32 $0x2710, v5;
	_ =	sdelay $0x3  }
0x135: {  	[tilespmem:v5+s20+$0x0] =	vst.idx.msk vm0, v6  }
0x136: {  	s23 =	sshra.s32 s25, $0x2;
	[tilespmem:v8+s20+$0x0] =	vst.idx.msk vm0, v7  }
0x137: {  	v5 =	vld [tilespmem:s23+$0x1BE80];
	_ =	sdelay $0x2  }
.Ltmp6:
0x138: {  	(pc) =	sbr.rel @p0 .LBB2_12-.Ltmp6, $3  }
0x139: {  	_ = 	snop  }
0x13a: {  	(xrf0) =	vadd.scan.msk.s32 $0xffff, v5;
	_ =	sdelay $0x1  }
0x13b: {  	s25 =	spop (v2sf)  }
0x13c: {  	_ =	sdelay $0x2  }
0x13d: {  	v6, _, _ =	vpop (xrf0)  }
0x13e: {  	(v2sf) =	vpush v6, $0xF;
	_ =	sdelay $0x4  }
0x13f: {  	s22 =	sadd.s32 s22, s25;
	vm0 =	veq.s32 v5, $0x1;
	v6 =	vsub.s32 v6, v5  }
0x140: {  	v5 =	vadd.s32 s22, v6;
	v6 =	vld [tilespmem:s23+$0x2780]  }
0x141: {  	v7 =	vld [tilespmem:s23+$0x4E90];
	v8 =	vadd.s32 $0x2710, v5;
	_ =	sdelay $0x3  }
0x142: {  	s21 =	sadd.s32 $0x1, s21;
	[tilespmem:v5+s20+$0x0] =	vst.idx.msk vm0, v6  }
0x143: {  	p0 =	sne.s32 s21, s10;
	[tilespmem:v8+s20+$0x0] =	vst.idx.msk vm0, v7  }
0x144: {  	[hbm4b:s9+s1] =	stream.linear.scatter [tilespmem:s20], [sflag:$0x3], $0x4E20, $0x38;
	[tilespmem:$0x1E680] =	vst v63  }
.Ltmp7:
0x145: {  	_ = 	snop;
	(pc) =	sbr.rel @p0 .LBB2_1-.Ltmp7, $4  }
0x146: {  	s31 =	spop (v2sf)  }
0x147: {  	_ =	swait.ge [sflag:s15], $0x4E20  }
0x148: {  	[sflag:s15] =	ssyncset.done $0x0  }
0x149: {  	[sflag:s15] =	ssyncadd.s32 $0xFFFFB1E0  }
0x14a: {  	_ =	sfence.sel $0x180000  }
0x14b: {  	[bflag:$0x0] =	sbarrier.arrive $0xFFFF  }
0x14c: {  	p0 =	sne.s32 s2, $0x0;
	_ =	strace $0x90000047  }
0x14d: {  	s0 =	sadd.s32 @!p0 $0x100000, s0;
	[bflag:$0x2] =	sbarrier.arrive $0xFFFF  }
0x14e: {  	[sflag:s0] =	ssyncadd.tile.s32 @!p0 $0x1;
	_ =	shalt  }
.Lfunc_end2:
_tile_overlayer_lowered:
.L_overlay_start_2:
0x14f: {  	(tag) =	ssettag $0x2  }
0x150: {  	s0 =	rddreg [dreg:$0x0];
	s2 =	stileid.u32  }
0x151: {  	s1 =	rddreg [dreg:$0x1];
	p0 =	sne.s32 s2, $0x0  }
0x152: {  	s3 =	rddreg [dreg:$0x2];
	[bflag:$0x3] =	sbarrier.arrive $0xFFFF;
	s2 =	simm.s32 @!p0 $0x1C03  }
0x153: {  	[timem:s3], [sflag:s2] =	dma.local @!p0 [hbm:s0], s1  }
0x154: {  	s0 =	simm.s32 @!p0 $0x3  }
0x155: {  	_ =	swait.ge @!p0 [sflag:s0], s1  }
0x156: {  	s1 =	ssub.s32 @!p0 $0x0, s1;
	[sflag:s0] =	ssyncset.done @!p0 $0x0  }
0x157: {  	[sflag:s0] =	ssyncadd.s32 @!p0 s1  }
0x158: {  	[bflag:$0x3] =	sbarrier.arrive $0xFFFF  }
0x159: {  	_ =	shalt  }

</sc_bundles>
